<compile_context>
chip_gen: v7x
topology: tpu7x:2x2x1
jax: 0.10.2.dev20260603
libtpu: 0.0.44.dev20260713+nightly
codegen_flags: <defaults>
</compile_context>

<pallas_src>
import jax
import jax.numpy as jnp
from jax import lax
from jax.experimental import pallas as pl
from jax.experimental.pallas import tpu as pltpu
from jax.experimental.pallas import tpu_sc as plsc

D = 1000
NC, NS = 2, 16
NW = NC * NS
CHUNK = 16
NBUF = 4


def _gather_body(table_hbm, idx_hbm, out_hbm,
                 table_sh, idx_v, rows0, rows1, rows2, rows3,
                 isem, tsem, gsem0, gsem1, gsem2, gsem3,
                 osem0, osem1, osem2, osem3):
    n_idx = idx_hbm.shape[0]
    b_per_w = n_idx // NW
    n_chunks = b_per_w // CHUNK
    sid = lax.axis_index("s")
    wid = sid * NC + lax.axis_index("c")
    base = wid * b_per_w

    rows = [rows0, rows1, rows2, rows3]
    gsem = [gsem0, gsem1, gsem2, gsem3]
    osem = [osem0, osem1, osem2, osem3]

    def gather(i, k):
        src = table_sh.at[idx_v.at[pl.ds(i * CHUNK, CHUNK)]]
        return pltpu.make_async_copy(src, rows[k], gsem[k])

    def writeback(i, k):
        dst = out_hbm.at[pl.ds(base + i * CHUNK, CHUNK)]
        return pltpu.make_async_copy(rows[k], dst, osem[k])

    pltpu.make_async_copy(idx_hbm.at[pl.ds(base, b_per_w)], idx_v, isem).start()

    @pl.when(sid == 0)
    def _():
        pltpu.make_async_copy(table_hbm, table_sh, tsem).start()
        pltpu.make_async_copy(table_hbm, table_sh, tsem).wait()

    plsc.subcore_barrier()
    pltpu.make_async_copy(idx_hbm.at[pl.ds(base, b_per_w)], idx_v, isem).wait()

    gather(0, 0).start()
    gather(1, 1).start()
    gather(0, 0).wait()
    writeback(0, 0).start()
    gather(2, 2).start()
    gather(1, 1).wait()
    writeback(1, 1).start()
    gather(3, 3).start()

    def group_body(j, carry):
        g0 = 4 * j + 2
        for k in range(4):
            g = g0 + k
            kb = (2 + k) % NBUF
            ko = k
            gather(g, kb).wait()
            writeback(g, kb).start()
            writeback(g - 2, ko).wait()
            gather(g + 2, ko).start()
        return carry

    lax.fori_loop(0, (n_chunks - 4) // 4, group_body, 0)

    for g in (n_chunks - 2, n_chunks - 1):
        gather(g, g % NBUF).wait()
        writeback(g, g % NBUF).start()
        writeback(g - 2, (g - 2) % NBUF).wait()
    writeback(n_chunks - 2, (n_chunks - 2) % NBUF).wait()
    writeback(n_chunks - 1, (n_chunks - 1) % NBUF).wait()


def kernel(token_idx, targets, embedding_table):
    B, L = token_idx.shape
    idx = token_idx.reshape(-1).astype(jnp.int32)
    b_per_w = (B * L) // NW
    mesh = plsc.VectorSubcoreMesh(core_axis_name="c", subcore_axis_name="s")
    out = pl.kernel(
        _gather_body,
        out_type=jax.ShapeDtypeStruct((B * L, D), jnp.float32),
        mesh=mesh,
        compiler_params=pltpu.CompilerParams(use_tc_tiling_on_sc=False),
        scratch_types=[
            pltpu.VMEM_SHARED(embedding_table.shape, jnp.float32),
            pltpu.VMEM((b_per_w,), jnp.int32),
            pltpu.VMEM((CHUNK, D), jnp.float32),
            pltpu.VMEM((CHUNK, D), jnp.float32),
            pltpu.VMEM((CHUNK, D), jnp.float32),
            pltpu.VMEM((CHUNK, D), jnp.float32),
        ] + [pltpu.SemaphoreType.DMA] * 10,
    )(embedding_table, idx)
    return out.reshape(B, L, D)

# --- scband reference (transcript-rebuilt; emitter-appended) ---
"""Pipeline reference for scband-only-decoder-33887291966026 (READ-ONLY COPY).

The authoritative reference and input builder live on the scoring server;
editing this copy changes nothing except your own understanding.
"""

import jax, jax.numpy as jnp
import numpy as np

VOCAB = 1000
B = 4096
L = 20

def setup_inputs(seed: int = 0) -> dict:
    key = jax.random.key(seed)
    k1, k2, k3 = jax.random.split(key, 3)
    token_idx = jax.random.randint(k1, (B, L), 0, VOCAB, dtype=jnp.int64 if jax.config.jax_enable_x64 else jnp.int32)
    targets = jax.random.randint(k2, (B, L), 0, VOCAB, dtype=jnp.int64 if jax.config.jax_enable_x64 else jnp.int32)
    # nn.Embedding default init: N(0, 1)
    embedding_table = jax.random.normal(k3, (VOCAB, VOCAB), dtype=jnp.float32)
    return {"token_idx": token_idx, "targets": targets, "embedding_table": embedding_table}

def reference(token_idx, targets, embedding_table):
    # logits = self.embedding_table(token_idx); targets is unused in forward
    logits = jnp.take(embedding_table, token_idx, axis=0)
    return logits

if __name__ == "__main__":
    import jax
    _d = setup_inputs()
    print(jax.jit(kernel)(*tuple(_d.values())))

</pallas_src>

<mosaic_0001>
#map = affine_map<(d0, d1) -> (0, 0)>
#map1 = affine_map<(d0, d1) -> (0)>
module attributes {stable_mosaic.version = 14 : i64} {
  func.func @_gather_body(%arg0: i32, %arg1: i32, %arg2: memref<1000x1000xf32, #tpu.memory_space<hbm>>, %arg3: memref<81920xi32, #tpu.memory_space<hbm>>, %arg4: memref<81920x1000xf32, #tpu.memory_space<hbm>>, %arg5: memref<1000x1000xf32, #tpu.memory_space<vmem_shared>>, %arg6: memref<2560xi32, #tpu.memory_space<vmem>>, %arg7: memref<16x1000xf32, #tpu.memory_space<vmem>>, %arg8: memref<16x1000xf32, #tpu.memory_space<vmem>>, %arg9: memref<16x1000xf32, #tpu.memory_space<vmem>>, %arg10: memref<16x1000xf32, #tpu.memory_space<vmem>>, %arg11: memref<!tpu.dma_semaphore, #tpu.memory_space<semaphore_mem>>, %arg12: memref<!tpu.dma_semaphore, #tpu.memory_space<semaphore_mem>>, %arg13: memref<!tpu.dma_semaphore, #tpu.memory_space<semaphore_mem>>, %arg14: memref<!tpu.dma_semaphore, #tpu.memory_space<semaphore_mem>>, %arg15: memref<!tpu.dma_semaphore, #tpu.memory_space<semaphore_mem>>, %arg16: memref<!tpu.dma_semaphore, #tpu.memory_space<semaphore_mem>>, %arg17: memref<!tpu.dma_semaphore, #tpu.memory_space<semaphore_mem>>, %arg18: memref<!tpu.dma_semaphore, #tpu.memory_space<semaphore_mem>>, %arg19: memref<!tpu.dma_semaphore, #tpu.memory_space<semaphore_mem>>, %arg20: memref<!tpu.dma_semaphore, #tpu.memory_space<semaphore_mem>>) attributes {dimension_semantics = [#tpu.dimension_semantics<core_parallel>, #tpu.dimension_semantics<subcore_parallel>], iteration_bounds = array<i64: 2, 16>, scalar_prefetch = 0 : i64, scratch_operands = 16 : i64, tpu.core_type = #tpu.core_type<sc_vector_subcore>, window_params = [{transform_indices = #map}, {transform_indices = #map1}, {transform_indices = #map}]} {
    %mul3A = arith.constant 2 : i32
    %mul3A_0 = arith.muli %arg1, %mul3A : i32
    %add3A = arith.addi %mul3A_0, %arg0 : i32
    %mul3A_1 = arith.constant 2560 : i32
    %mul3A_2 = arith.muli %add3A, %mul3A_1 : i32
    %dma_start3A = tpu.memref_slice %arg3[%mul3A_2] : memref<81920xi32, #tpu.memory_space<hbm>> -> memref<2560xi32, #tpu.memory_space<hbm>>
    %dma_start3A_3 = tpu.memref_slice %arg3[%mul3A_2] : memref<81920xi32, #tpu.memory_space<hbm>> -> memref<2560xi32, #tpu.memory_space<hbm>>
    tpu.enqueue_dma source(%dma_start3A_3 : memref<2560xi32, #tpu.memory_space<hbm>>) target(%arg6 : memref<2560xi32, #tpu.memory_space<vmem>>) target_semaphore(%arg11 : memref<!tpu.dma_semaphore, #tpu.memory_space<semaphore_mem>>)
    %eq3A = arith.constant 0 : i32
    %eq3A_4 = arith.cmpi eq, %arg1, %eq3A : i32
    %convert_element_type3A = arith.extui %eq3A_4 : i1 to i32
    %cond3A = arith.constant 0 : i32
    %cond3A_5 = arith.cmpi ne, %convert_element_type3A, %cond3A : i32
    scf.if %cond3A_5 {
      tpu.enqueue_dma source(%arg2 : memref<1000x1000xf32, #tpu.memory_space<hbm>>) target(%arg5 : memref<1000x1000xf32, #tpu.memory_space<vmem_shared>>) target_semaphore(%arg12 : memref<!tpu.dma_semaphore, #tpu.memory_space<semaphore_mem>>)
      tpu.wait_dma2 semaphore(%arg12 : memref<!tpu.dma_semaphore, #tpu.memory_space<semaphore_mem>>) src(%arg2 : memref<1000x1000xf32, #tpu.memory_space<hbm>>) dst(%arg5 : memref<1000x1000xf32, #tpu.memory_space<vmem_shared>>)
    } else {
    }
    %barrier3A = arith.constant 0 : index
    tpu.barrier barrier_id(%barrier3A)
    %dma_wait3A = tpu.memref_slice %arg3[%mul3A_2] : memref<81920xi32, #tpu.memory_space<hbm>> -> memref<2560xi32, #tpu.memory_space<hbm>>
    %dma_wait3A_6 = tpu.memref_slice %arg3[%mul3A_2] : memref<81920xi32, #tpu.memory_space<hbm>> -> memref<2560xi32, #tpu.memory_space<hbm>>
    tpu.wait_dma2 semaphore(%arg11 : memref<!tpu.dma_semaphore, #tpu.memory_space<semaphore_mem>>) src(%dma_wait3A_6 : memref<2560xi32, #tpu.memory_space<hbm>>) dst(%arg6 : memref<2560xi32, #tpu.memory_space<vmem>>)
    %dma_start3A_7 = arith.constant 0 : i32
    %dma_start3A_8 = tpu.memref_slice %arg6[%dma_start3A_7] : memref<2560xi32, #tpu.memory_space<vmem>> -> memref<16xi32, #tpu.memory_space<vmem>>
    %dma_start3A_9 = arith.constant 0 : i32
    %dma_start3A_10 = arith.constant 0 : i32
    %dma_start3A_11 = tpu.memref_slice %arg5[%dma_start3A_9, %dma_start3A_10] : memref<1000x1000xf32, #tpu.memory_space<vmem_shared>> -> memref<1000x1000xf32, #tpu.memory_space<vmem_shared>>
    tpu.enqueue_indirect_dma source(%dma_start3A_11 : memref<1000x1000xf32, #tpu.memory_space<vmem_shared>>) target(%arg7 : memref<16x1000xf32, #tpu.memory_space<vmem>>) offsets(%dma_start3A_8 : memref<16xi32, #tpu.memory_space<vmem>>) semaphore(%arg13 : memref<!tpu.dma_semaphore, #tpu.memory_space<semaphore_mem>>)
    %dma_start3A_12 = arith.constant 16 : i32
    %dma_start3A_13 = tpu.memref_slice %arg6[%dma_start3A_12] : memref<2560xi32, #tpu.memory_space<vmem>> -> memref<16xi32, #tpu.memory_space<vmem>>
    %dma_start3A_14 = arith.constant 0 : i32
    %dma_start3A_15 = arith.constant 0 : i32
    %dma_start3A_16 = tpu.memref_slice %arg5[%dma_start3A_14, %dma_start3A_15] : memref<1000x1000xf32, #tpu.memory_space<vmem_shared>> -> memref<1000x1000xf32, #tpu.memory_space<vmem_shared>>
    tpu.enqueue_indirect_dma source(%dma_start3A_16 : memref<1000x1000xf32, #tpu.memory_space<vmem_shared>>) target(%arg8 : memref<16x1000xf32, #tpu.memory_space<vmem>>) offsets(%dma_start3A_13 : memref<16xi32, #tpu.memory_space<vmem>>) semaphore(%arg14 : memref<!tpu.dma_semaphore, #tpu.memory_space<semaphore_mem>>)
    %dma_wait3A_17 = arith.constant 0 : i32
    %dma_wait3A_18 = tpu.memref_slice %arg6[%dma_wait3A_17] : memref<2560xi32, #tpu.memory_space<vmem>> -> memref<16xi32, #tpu.memory_space<vmem>>
    %dma_wait3A_19 = arith.constant 0 : i32
    %dma_wait3A_20 = arith.constant 0 : i32
    %dma_wait3A_21 = tpu.memref_slice %arg5[%dma_wait3A_19, %dma_wait3A_20] : memref<1000x1000xf32, #tpu.memory_space<vmem_shared>> -> memref<1000x1000xf32, #tpu.memory_space<vmem_shared>>
    tpu.wait_indirect_dma semaphore(%arg13 : memref<!tpu.dma_semaphore, #tpu.memory_space<semaphore_mem>>) src(%dma_wait3A_21 : memref<1000x1000xf32, #tpu.memory_space<vmem_shared>>) dst(%arg7 : memref<16x1000xf32, #tpu.memory_space<vmem>>)
    %add3A_22 = arith.constant 0 : i32
    %add3A_23 = arith.addi %mul3A_2, %add3A_22 : i32
    %dma_start3A_24 = arith.constant 0 : i32
    %dma_start3A_25 = tpu.memref_slice %arg4[%add3A_23, %dma_start3A_24] : memref<81920x1000xf32, #tpu.memory_space<hbm>> -> memref<16x1000xf32, #tpu.memory_space<hbm>>
    %dma_start3A_26 = arith.constant 0 : i32
    %dma_start3A_27 = tpu.memref_slice %arg4[%add3A_23, %dma_start3A_26] : memref<81920x1000xf32, #tpu.memory_space<hbm>> -> memref<16x1000xf32, #tpu.memory_space<hbm>>
    tpu.enqueue_dma source(%arg7 : memref<16x1000xf32, #tpu.memory_space<vmem>>) target(%dma_start3A_27 : memref<16x1000xf32, #tpu.memory_space<hbm>>) target_semaphore(%arg17 : memref<!tpu.dma_semaphore, #tpu.memory_space<semaphore_mem>>)
    %dma_start3A_28 = arith.constant 32 : i32
    %dma_start3A_29 = tpu.memref_slice %arg6[%dma_start3A_28] : memref<2560xi32, #tpu.memory_space<vmem>> -> memref<16xi32, #tpu.memory_space<vmem>>
    %dma_start3A_30 = arith.constant 0 : i32
    %dma_start3A_31 = arith.constant 0 : i32
    %dma_start3A_32 = tpu.memref_slice %arg5[%dma_start3A_30, %dma_start3A_31] : memref<1000x1000xf32, #tpu.memory_space<vmem_shared>> -> memref<1000x1000xf32, #tpu.memory_space<vmem_shared>>
    tpu.enqueue_indirect_dma source(%dma_start3A_32 : memref<1000x1000xf32, #tpu.memory_space<vmem_shared>>) target(%arg9 : memref<16x1000xf32, #tpu.memory_space<vmem>>) offsets(%dma_start3A_29 : memref<16xi32, #tpu.memory_space<vmem>>) semaphore(%arg15 : memref<!tpu.dma_semaphore, #tpu.memory_space<semaphore_mem>>)
    %dma_wait3A_33 = arith.constant 16 : i32
    %dma_wait3A_34 = tpu.memref_slice %arg6[%dma_wait3A_33] : memref<2560xi32, #tpu.memory_space<vmem>> -> memref<16xi32, #tpu.memory_space<vmem>>
    %dma_wait3A_35 = arith.constant 0 : i32
    %dma_wait3A_36 = arith.constant 0 : i32
    %dma_wait3A_37 = tpu.memref_slice %arg5[%dma_wait3A_35, %dma_wait3A_36] : memref<1000x1000xf32, #tpu.memory_space<vmem_shared>> -> memref<1000x1000xf32, #tpu.memory_space<vmem_shared>>
    tpu.wait_indirect_dma semaphore(%arg14 : memref<!tpu.dma_semaphore, #tpu.memory_space<semaphore_mem>>) src(%dma_wait3A_37 : memref<1000x1000xf32, #tpu.memory_space<vmem_shared>>) dst(%arg8 : memref<16x1000xf32, #tpu.memory_space<vmem>>)
    %add3A_38 = arith.constant 16 : i32
    %add3A_39 = arith.addi %mul3A_2, %add3A_38 : i32
    %dma_start3A_40 = arith.constant 0 : i32
    %dma_start3A_41 = tpu.memref_slice %arg4[%add3A_39, %dma_start3A_40] : memref<81920x1000xf32, #tpu.memory_space<hbm>> -> memref<16x1000xf32, #tpu.memory_space<hbm>>
    %dma_start3A_42 = arith.constant 0 : i32
    %dma_start3A_43 = tpu.memref_slice %arg4[%add3A_39, %dma_start3A_42] : memref<81920x1000xf32, #tpu.memory_space<hbm>> -> memref<16x1000xf32, #tpu.memory_space<hbm>>
    tpu.enqueue_dma source(%arg8 : memref<16x1000xf32, #tpu.memory_space<vmem>>) target(%dma_start3A_43 : memref<16x1000xf32, #tpu.memory_space<hbm>>) target_semaphore(%arg18 : memref<!tpu.dma_semaphore, #tpu.memory_space<semaphore_mem>>)
    %dma_start3A_44 = arith.constant 48 : i32
    %dma_start3A_45 = tpu.memref_slice %arg6[%dma_start3A_44] : memref<2560xi32, #tpu.memory_space<vmem>> -> memref<16xi32, #tpu.memory_space<vmem>>
    %dma_start3A_46 = arith.constant 0 : i32
    %dma_start3A_47 = arith.constant 0 : i32
    %dma_start3A_48 = tpu.memref_slice %arg5[%dma_start3A_46, %dma_start3A_47] : memref<1000x1000xf32, #tpu.memory_space<vmem_shared>> -> memref<1000x1000xf32, #tpu.memory_space<vmem_shared>>
    tpu.enqueue_indirect_dma source(%dma_start3A_48 : memref<1000x1000xf32, #tpu.memory_space<vmem_shared>>) target(%arg10 : memref<16x1000xf32, #tpu.memory_space<vmem>>) offsets(%dma_start3A_45 : memref<16xi32, #tpu.memory_space<vmem>>) semaphore(%arg16 : memref<!tpu.dma_semaphore, #tpu.memory_space<semaphore_mem>>)
    %scan3A = arith.constant 0 : i32
    %scan3A_49 = arith.constant 0 : i32
    %scan3A_50 = arith.constant 39 : i32
    %scan3A_51 = arith.addi %scan3A_49, %scan3A_50 : i32
    %scan3A_52 = arith.constant 1 : i32
    scf.for %scan3A_100 = %scan3A_49 to %scan3A_51 step %scan3A_52  : i32 {
      %mul3A_101 = arith.constant 4 : i32
      %mul3A_102 = arith.muli %mul3A_101, %scan3A_100 : i32
      %add3A_103 = arith.constant 2 : i32
      %add3A_104 = arith.addi %mul3A_102, %add3A_103 : i32
      %add3A_105 = arith.constant 0 : i32
      %add3A_106 = arith.addi %add3A_104, %add3A_105 : i32
      %mul3A_107 = arith.constant 16 : i32
      %mul3A_108 = arith.muli %add3A_106, %mul3A_107 : i32
      %dma_wait3A_109 = tpu.memref_slice %arg6[%mul3A_108] : memref<2560xi32, #tpu.memory_space<vmem>> -> memref<16xi32, #tpu.memory_space<vmem>>
      %dma_wait3A_110 = arith.constant 0 : i32
      %dma_wait3A_111 = arith.constant 0 : i32
      %dma_wait3A_112 = tpu.memref_slice %arg5[%dma_wait3A_110, %dma_wait3A_111] : memref<1000x1000xf32, #tpu.memory_space<vmem_shared>> -> memref<1000x1000xf32, #tpu.memory_space<vmem_shared>>
      tpu.wait_indirect_dma semaphore(%arg15 : memref<!tpu.dma_semaphore, #tpu.memory_space<semaphore_mem>>) src(%dma_wait3A_112 : memref<1000x1000xf32, #tpu.memory_space<vmem_shared>>) dst(%arg9 : memref<16x1000xf32, #tpu.memory_space<vmem>>)
      %mul3A_113 = arith.constant 16 : i32
      %mul3A_114 = arith.muli %add3A_106, %mul3A_113 : i32
      %add3A_115 = arith.addi %mul3A_2, %mul3A_114 : i32
      %dma_start3A_116 = arith.constant 0 : i32
      %dma_start3A_117 = tpu.memref_slice %arg4[%add3A_115, %dma_start3A_116] : memref<81920x1000xf32, #tpu.memory_space<hbm>> -> memref<16x1000xf32, #tpu.memory_space<hbm>>
      %dma_start3A_118 = arith.constant 0 : i32
      %dma_start3A_119 = tpu.memref_slice %arg4[%add3A_115, %dma_start3A_118] : memref<81920x1000xf32, #tpu.memory_space<hbm>> -> memref<16x1000xf32, #tpu.memory_space<hbm>>
      tpu.enqueue_dma source(%arg9 : memref<16x1000xf32, #tpu.memory_space<vmem>>) target(%dma_start3A_119 : memref<16x1000xf32, #tpu.memory_space<hbm>>) target_semaphore(%arg19 : memref<!tpu.dma_semaphore, #tpu.memory_space<semaphore_mem>>)
      %sub3A = arith.constant 2 : i32
      %sub3A_120 = arith.subi %add3A_106, %sub3A : i32
      %mul3A_121 = arith.constant 16 : i32
      %mul3A_122 = arith.muli %sub3A_120, %mul3A_121 : i32
      %add3A_123 = arith.addi %mul3A_2, %mul3A_122 : i32
      %dma_wait3A_124 = arith.constant 0 : i32
      %dma_wait3A_125 = tpu.memref_slice %arg4[%add3A_123, %dma_wait3A_124] : memref<81920x1000xf32, #tpu.memory_space<hbm>> -> memref<16x1000xf32, #tpu.memory_space<hbm>>
      %dma_wait3A_126 = arith.constant 0 : i32
      %dma_wait3A_127 = tpu.memref_slice %arg4[%add3A_123, %dma_wait3A_126] : memref<81920x1000xf32, #tpu.memory_space<hbm>> -> memref<16x1000xf32, #tpu.memory_space<hbm>>
      tpu.wait_dma2 semaphore(%arg17 : memref<!tpu.dma_semaphore, #tpu.memory_space<semaphore_mem>>) src(%arg7 : memref<16x1000xf32, #tpu.memory_space<vmem>>) dst(%dma_wait3A_127 : memref<16x1000xf32, #tpu.memory_space<hbm>>)
      %add3A_128 = arith.constant 2 : i32
      %add3A_129 = arith.addi %add3A_106, %add3A_128 : i32
      %mul3A_130 = arith.constant 16 : i32
      %mul3A_131 = arith.muli %add3A_129, %mul3A_130 : i32
      %dma_start3A_132 = tpu.memref_slice %arg6[%mul3A_131] : memref<2560xi32, #tpu.memory_space<vmem>> -> memref<16xi32, #tpu.memory_space<vmem>>
      %dma_start3A_133 = arith.constant 0 : i32
      %dma_start3A_134 = arith.constant 0 : i32
      %dma_start3A_135 = tpu.memref_slice %arg5[%dma_start3A_133, %dma_start3A_134] : memref<1000x1000xf32, #tpu.memory_space<vmem_shared>> -> memref<1000x1000xf32, #tpu.memory_space<vmem_shared>>
      tpu.enqueue_indirect_dma source(%dma_start3A_135 : memref<1000x1000xf32, #tpu.memory_space<vmem_shared>>) target(%arg7 : memref<16x1000xf32, #tpu.memory_space<vmem>>) offsets(%dma_start3A_132 : memref<16xi32, #tpu.memory_space<vmem>>) semaphore(%arg13 : memref<!tpu.dma_semaphore, #tpu.memory_space<semaphore_mem>>)
      %add3A_136 = arith.constant 1 : i32
      %add3A_137 = arith.addi %add3A_104, %add3A_136 : i32
      %mul3A_138 = arith.constant 16 : i32
      %mul3A_139 = arith.muli %add3A_137, %mul3A_138 : i32
      %dma_wait3A_140 = tpu.memref_slice %arg6[%mul3A_139] : memref<2560xi32, #tpu.memory_space<vmem>> -> memref<16xi32, #tpu.memory_space<vmem>>
      %dma_wait3A_141 = arith.constant 0 : i32
      %dma_wait3A_142 = arith.constant 0 : i32
      %dma_wait3A_143 = tpu.memref_slice %arg5[%dma_wait3A_141, %dma_wait3A_142] : memref<1000x1000xf32, #tpu.memory_space<vmem_shared>> -> memref<1000x1000xf32, #tpu.memory_space<vmem_shared>>
      tpu.wait_indirect_dma semaphore(%arg16 : memref<!tpu.dma_semaphore, #tpu.memory_space<semaphore_mem>>) src(%dma_wait3A_143 : memref<1000x1000xf32, #tpu.memory_space<vmem_shared>>) dst(%arg10 : memref<16x1000xf32, #tpu.memory_space<vmem>>)
      %mul3A_144 = arith.constant 16 : i32
      %mul3A_145 = arith.muli %add3A_137, %mul3A_144 : i32
      %add3A_146 = arith.addi %mul3A_2, %mul3A_145 : i32
      %dma_start3A_147 = arith.constant 0 : i32
      %dma_start3A_148 = tpu.memref_slice %arg4[%add3A_146, %dma_start3A_147] : memref<81920x1000xf32, #tpu.memory_space<hbm>> -> memref<16x1000xf32, #tpu.memory_space<hbm>>
      %dma_start3A_149 = arith.constant 0 : i32
      %dma_start3A_150 = tpu.memref_slice %arg4[%add3A_146, %dma_start3A_149] : memref<81920x1000xf32, #tpu.memory_space<hbm>> -> memref<16x1000xf32, #tpu.memory_space<hbm>>
      tpu.enqueue_dma source(%arg10 : memref<16x1000xf32, #tpu.memory_space<vmem>>) target(%dma_start3A_150 : memref<16x1000xf32, #tpu.memory_space<hbm>>) target_semaphore(%arg20 : memref<!tpu.dma_semaphore, #tpu.memory_space<semaphore_mem>>)
      %sub3A_151 = arith.constant 2 : i32
      %sub3A_152 = arith.subi %add3A_137, %sub3A_151 : i32
      %mul3A_153 = arith.constant 16 : i32
      %mul3A_154 = arith.muli %sub3A_152, %mul3A_153 : i32
      %add3A_155 = arith.addi %mul3A_2, %mul3A_154 : i32
      %dma_wait3A_156 = arith.constant 0 : i32
      %dma_wait3A_157 = tpu.memref_slice %arg4[%add3A_155, %dma_wait3A_156] : memref<81920x1000xf32, #tpu.memory_space<hbm>> -> memref<16x1000xf32, #tpu.memory_space<hbm>>
      %dma_wait3A_158 = arith.constant 0 : i32
      %dma_wait3A_159 = tpu.memref_slice %arg4[%add3A_155, %dma_wait3A_158] : memref<81920x1000xf32, #tpu.memory_space<hbm>> -> memref<16x1000xf32, #tpu.memory_space<hbm>>
      tpu.wait_dma2 semaphore(%arg18 : memref<!tpu.dma_semaphore, #tpu.memory_space<semaphore_mem>>) src(%arg8 : memref<16x1000xf32, #tpu.memory_space<vmem>>) dst(%dma_wait3A_159 : memref<16x1000xf32, #tpu.memory_space<hbm>>)
      %add3A_160 = arith.constant 2 : i32
      %add3A_161 = arith.addi %add3A_137, %add3A_160 : i32
      %mul3A_162 = arith.constant 16 : i32
      %mul3A_163 = arith.muli %add3A_161, %mul3A_162 : i32
      %dma_start3A_164 = tpu.memref_slice %arg6[%mul3A_163] : memref<2560xi32, #tpu.memory_space<vmem>> -> memref<16xi32, #tpu.memory_space<vmem>>
      %dma_start3A_165 = arith.constant 0 : i32
      %dma_start3A_166 = arith.constant 0 : i32
      %dma_start3A_167 = tpu.memref_slice %arg5[%dma_start3A_165, %dma_start3A_166] : memref<1000x1000xf32, #tpu.memory_space<vmem_shared>> -> memref<1000x1000xf32, #tpu.memory_space<vmem_shared>>
      tpu.enqueue_indirect_dma source(%dma_start3A_167 : memref<1000x1000xf32, #tpu.memory_space<vmem_shared>>) target(%arg8 : memref<16x1000xf32, #tpu.memory_space<vmem>>) offsets(%dma_start3A_164 : memref<16xi32, #tpu.memory_space<vmem>>) semaphore(%arg14 : memref<!tpu.dma_semaphore, #tpu.memory_space<semaphore_mem>>)
      %add3A_168 = arith.constant 2 : i32
      %add3A_169 = arith.addi %add3A_104, %add3A_168 : i32
      %mul3A_170 = arith.constant 16 : i32
      %mul3A_171 = arith.muli %add3A_169, %mul3A_170 : i32
      %dma_wait3A_172 = tpu.memref_slice %arg6[%mul3A_171] : memref<2560xi32, #tpu.memory_space<vmem>> -> memref<16xi32, #tpu.memory_space<vmem>>
      %dma_wait3A_173 = arith.constant 0 : i32
      %dma_wait3A_174 = arith.constant 0 : i32
      %dma_wait3A_175 = tpu.memref_slice %arg5[%dma_wait3A_173, %dma_wait3A_174] : memref<1000x1000xf32, #tpu.memory_space<vmem_shared>> -> memref<1000x1000xf32, #tpu.memory_space<vmem_shared>>
      tpu.wait_indirect_dma semaphore(%arg13 : memref<!tpu.dma_semaphore, #tpu.memory_space<semaphore_mem>>) src(%dma_wait3A_175 : memref<1000x1000xf32, #tpu.memory_space<vmem_shared>>) dst(%arg7 : memref<16x1000xf32, #tpu.memory_space<vmem>>)
      %mul3A_176 = arith.constant 16 : i32
      %mul3A_177 = arith.muli %add3A_169, %mul3A_176 : i32
      %add3A_178 = arith.addi %mul3A_2, %mul3A_177 : i32
      %dma_start3A_179 = arith.constant 0 : i32
      %dma_start3A_180 = tpu.memref_slice %arg4[%add3A_178, %dma_start3A_179] : memref<81920x1000xf32, #tpu.memory_space<hbm>> -> memref<16x1000xf32, #tpu.memory_space<hbm>>
      %dma_start3A_181 = arith.constant 0 : i32
      %dma_start3A_182 = tpu.memref_slice %arg4[%add3A_178, %dma_start3A_181] : memref<81920x1000xf32, #tpu.memory_space<hbm>> -> memref<16x1000xf32, #tpu.memory_space<hbm>>
      tpu.enqueue_dma source(%arg7 : memref<16x1000xf32, #tpu.memory_space<vmem>>) target(%dma_start3A_182 : memref<16x1000xf32, #tpu.memory_space<hbm>>) target_semaphore(%arg17 : memref<!tpu.dma_semaphore, #tpu.memory_space<semaphore_mem>>)
      %sub3A_183 = arith.constant 2 : i32
      %sub3A_184 = arith.subi %add3A_169, %sub3A_183 : i32
      %mul3A_185 = arith.constant 16 : i32
      %mul3A_186 = arith.muli %sub3A_184, %mul3A_185 : i32
      %add3A_187 = arith.addi %mul3A_2, %mul3A_186 : i32
      %dma_wait3A_188 = arith.constant 0 : i32
      %dma_wait3A_189 = tpu.memref_slice %arg4[%add3A_187, %dma_wait3A_188] : memref<81920x1000xf32, #tpu.memory_space<hbm>> -> memref<16x1000xf32, #tpu.memory_space<hbm>>
      %dma_wait3A_190 = arith.constant 0 : i32
      %dma_wait3A_191 = tpu.memref_slice %arg4[%add3A_187, %dma_wait3A_190] : memref<81920x1000xf32, #tpu.memory_space<hbm>> -> memref<16x1000xf32, #tpu.memory_space<hbm>>
      tpu.wait_dma2 semaphore(%arg19 : memref<!tpu.dma_semaphore, #tpu.memory_space<semaphore_mem>>) src(%arg9 : memref<16x1000xf32, #tpu.memory_space<vmem>>) dst(%dma_wait3A_191 : memref<16x1000xf32, #tpu.memory_space<hbm>>)
      %add3A_192 = arith.constant 2 : i32
      %add3A_193 = arith.addi %add3A_169, %add3A_192 : i32
      %mul3A_194 = arith.constant 16 : i32
      %mul3A_195 = arith.muli %add3A_193, %mul3A_194 : i32
      %dma_start3A_196 = tpu.memref_slice %arg6[%mul3A_195] : memref<2560xi32, #tpu.memory_space<vmem>> -> memref<16xi32, #tpu.memory_space<vmem>>
      %dma_start3A_197 = arith.constant 0 : i32
      %dma_start3A_198 = arith.constant 0 : i32
      %dma_start3A_199 = tpu.memref_slice %arg5[%dma_start3A_197, %dma_start3A_198] : memref<1000x1000xf32, #tpu.memory_space<vmem_shared>> -> memref<1000x1000xf32, #tpu.memory_space<vmem_shared>>
      tpu.enqueue_indirect_dma source(%dma_start3A_199 : memref<1000x1000xf32, #tpu.memory_space<vmem_shared>>) target(%arg9 : memref<16x1000xf32, #tpu.memory_space<vmem>>) offsets(%dma_start3A_196 : memref<16xi32, #tpu.memory_space<vmem>>) semaphore(%arg15 : memref<!tpu.dma_semaphore, #tpu.memory_space<semaphore_mem>>)
      %add3A_200 = arith.constant 3 : i32
      %add3A_201 = arith.addi %add3A_104, %add3A_200 : i32
      %mul3A_202 = arith.constant 16 : i32
      %mul3A_203 = arith.muli %add3A_201, %mul3A_202 : i32
      %dma_wait3A_204 = tpu.memref_slice %arg6[%mul3A_203] : memref<2560xi32, #tpu.memory_space<vmem>> -> memref<16xi32, #tpu.memory_space<vmem>>
      %dma_wait3A_205 = arith.constant 0 : i32
      %dma_wait3A_206 = arith.constant 0 : i32
      %dma_wait3A_207 = tpu.memref_slice %arg5[%dma_wait3A_205, %dma_wait3A_206] : memref<1000x1000xf32, #tpu.memory_space<vmem_shared>> -> memref<1000x1000xf32, #tpu.memory_space<vmem_shared>>
      tpu.wait_indirect_dma semaphore(%arg14 : memref<!tpu.dma_semaphore, #tpu.memory_space<semaphore_mem>>) src(%dma_wait3A_207 : memref<1000x1000xf32, #tpu.memory_space<vmem_shared>>) dst(%arg8 : memref<16x1000xf32, #tpu.memory_space<vmem>>)
      %mul3A_208 = arith.constant 16 : i32
      %mul3A_209 = arith.muli %add3A_201, %mul3A_208 : i32
      %add3A_210 = arith.addi %mul3A_2, %mul3A_209 : i32
      %dma_start3A_211 = arith.constant 0 : i32
      %dma_start3A_212 = tpu.memref_slice %arg4[%add3A_210, %dma_start3A_211] : memref<81920x1000xf32, #tpu.memory_space<hbm>> -> memref<16x1000xf32, #tpu.memory_space<hbm>>
      %dma_start3A_213 = arith.constant 0 : i32
      %dma_start3A_214 = tpu.memref_slice %arg4[%add3A_210, %dma_start3A_213] : memref<81920x1000xf32, #tpu.memory_space<hbm>> -> memref<16x1000xf32, #tpu.memory_space<hbm>>
      tpu.enqueue_dma source(%arg8 : memref<16x1000xf32, #tpu.memory_space<vmem>>) target(%dma_start3A_214 : memref<16x1000xf32, #tpu.memory_space<hbm>>) target_semaphore(%arg18 : memref<!tpu.dma_semaphore, #tpu.memory_space<semaphore_mem>>)
      %sub3A_215 = arith.constant 2 : i32
      %sub3A_216 = arith.subi %add3A_201, %sub3A_215 : i32
      %mul3A_217 = arith.constant 16 : i32
      %mul3A_218 = arith.muli %sub3A_216, %mul3A_217 : i32
      %add3A_219 = arith.addi %mul3A_2, %mul3A_218 : i32
      %dma_wait3A_220 = arith.constant 0 : i32
      %dma_wait3A_221 = tpu.memref_slice %arg4[%add3A_219, %dma_wait3A_220] : memref<81920x1000xf32, #tpu.memory_space<hbm>> -> memref<16x1000xf32, #tpu.memory_space<hbm>>
      %dma_wait3A_222 = arith.constant 0 : i32
      %dma_wait3A_223 = tpu.memref_slice %arg4[%add3A_219, %dma_wait3A_222] : memref<81920x1000xf32, #tpu.memory_space<hbm>> -> memref<16x1000xf32, #tpu.memory_space<hbm>>
      tpu.wait_dma2 semaphore(%arg20 : memref<!tpu.dma_semaphore, #tpu.memory_space<semaphore_mem>>) src(%arg10 : memref<16x1000xf32, #tpu.memory_space<vmem>>) dst(%dma_wait3A_223 : memref<16x1000xf32, #tpu.memory_space<hbm>>)
      %add3A_224 = arith.constant 2 : i32
      %add3A_225 = arith.addi %add3A_201, %add3A_224 : i32
      %mul3A_226 = arith.constant 16 : i32
      %mul3A_227 = arith.muli %add3A_225, %mul3A_226 : i32
      %dma_start3A_228 = tpu.memref_slice %arg6[%mul3A_227] : memref<2560xi32, #tpu.memory_space<vmem>> -> memref<16xi32, #tpu.memory_space<vmem>>
      %dma_start3A_229 = arith.constant 0 : i32
      %dma_start3A_230 = arith.constant 0 : i32
      %dma_start3A_231 = tpu.memref_slice %arg5[%dma_start3A_229, %dma_start3A_230] : memref<1000x1000xf32, #tpu.memory_space<vmem_shared>> -> memref<1000x1000xf32, #tpu.memory_space<vmem_shared>>
      tpu.enqueue_indirect_dma source(%dma_start3A_231 : memref<1000x1000xf32, #tpu.memory_space<vmem_shared>>) target(%arg10 : memref<16x1000xf32, #tpu.memory_space<vmem>>) offsets(%dma_start3A_228 : memref<16xi32, #tpu.memory_space<vmem>>) semaphore(%arg16 : memref<!tpu.dma_semaphore, #tpu.memory_space<semaphore_mem>>)
    }
    %scan3A_53 = arith.constant 39 : i32
    %dma_wait3A_54 = arith.constant 2528 : i32
    %dma_wait3A_55 = tpu.memref_slice %arg6[%dma_wait3A_54] : memref<2560xi32, #tpu.memory_space<vmem>> -> memref<16xi32, #tpu.memory_space<vmem>>
    %dma_wait3A_56 = arith.constant 0 : i32
    %dma_wait3A_57 = arith.constant 0 : i32
    %dma_wait3A_58 = tpu.memref_slice %arg5[%dma_wait3A_56, %dma_wait3A_57] : memref<1000x1000xf32, #tpu.memory_space<vmem_shared>> -> memref<1000x1000xf32, #tpu.memory_space<vmem_shared>>
    tpu.wait_indirect_dma semaphore(%arg15 : memref<!tpu.dma_semaphore, #tpu.memory_space<semaphore_mem>>) src(%dma_wait3A_58 : memref<1000x1000xf32, #tpu.memory_space<vmem_shared>>) dst(%arg9 : memref<16x1000xf32, #tpu.memory_space<vmem>>)
    %add3A_59 = arith.constant 2528 : i32
    %add3A_60 = arith.addi %mul3A_2, %add3A_59 : i32
    %dma_start3A_61 = arith.constant 0 : i32
    %dma_start3A_62 = tpu.memref_slice %arg4[%add3A_60, %dma_start3A_61] : memref<81920x1000xf32, #tpu.memory_space<hbm>> -> memref<16x1000xf32, #tpu.memory_space<hbm>>
    %dma_start3A_63 = arith.constant 0 : i32
    %dma_start3A_64 = tpu.memref_slice %arg4[%add3A_60, %dma_start3A_63] : memref<81920x1000xf32, #tpu.memory_space<hbm>> -> memref<16x1000xf32, #tpu.memory_space<hbm>>
    tpu.enqueue_dma source(%arg9 : memref<16x1000xf32, #tpu.memory_space<vmem>>) target(%dma_start3A_64 : memref<16x1000xf32, #tpu.memory_space<hbm>>) target_semaphore(%arg19 : memref<!tpu.dma_semaphore, #tpu.memory_space<semaphore_mem>>)
    %add3A_65 = arith.constant 2496 : i32
    %add3A_66 = arith.addi %mul3A_2, %add3A_65 : i32
    %dma_wait3A_67 = arith.constant 0 : i32
    %dma_wait3A_68 = tpu.memref_slice %arg4[%add3A_66, %dma_wait3A_67] : memref<81920x1000xf32, #tpu.memory_space<hbm>> -> memref<16x1000xf32, #tpu.memory_space<hbm>>
    %dma_wait3A_69 = arith.constant 0 : i32
    %dma_wait3A_70 = tpu.memref_slice %arg4[%add3A_66, %dma_wait3A_69] : memref<81920x1000xf32, #tpu.memory_space<hbm>> -> memref<16x1000xf32, #tpu.memory_space<hbm>>
    tpu.wait_dma2 semaphore(%arg17 : memref<!tpu.dma_semaphore, #tpu.memory_space<semaphore_mem>>) src(%arg7 : memref<16x1000xf32, #tpu.memory_space<vmem>>) dst(%dma_wait3A_70 : memref<16x1000xf32, #tpu.memory_space<hbm>>)
    %dma_wait3A_71 = arith.constant 2544 : i32
    %dma_wait3A_72 = tpu.memref_slice %arg6[%dma_wait3A_71] : memref<2560xi32, #tpu.memory_space<vmem>> -> memref<16xi32, #tpu.memory_space<vmem>>
    %dma_wait3A_73 = arith.constant 0 : i32
    %dma_wait3A_74 = arith.constant 0 : i32
    %dma_wait3A_75 = tpu.memref_slice %arg5[%dma_wait3A_73, %dma_wait3A_74] : memref<1000x1000xf32, #tpu.memory_space<vmem_shared>> -> memref<1000x1000xf32, #tpu.memory_space<vmem_shared>>
    tpu.wait_indirect_dma semaphore(%arg16 : memref<!tpu.dma_semaphore, #tpu.memory_space<semaphore_mem>>) src(%dma_wait3A_75 : memref<1000x1000xf32, #tpu.memory_space<vmem_shared>>) dst(%arg10 : memref<16x1000xf32, #tpu.memory_space<vmem>>)
    %add3A_76 = arith.constant 2544 : i32
    %add3A_77 = arith.addi %mul3A_2, %add3A_76 : i32
    %dma_start3A_78 = arith.constant 0 : i32
    %dma_start3A_79 = tpu.memref_slice %arg4[%add3A_77, %dma_start3A_78] : memref<81920x1000xf32, #tpu.memory_space<hbm>> -> memref<16x1000xf32, #tpu.memory_space<hbm>>
    %dma_start3A_80 = arith.constant 0 : i32
    %dma_start3A_81 = tpu.memref_slice %arg4[%add3A_77, %dma_start3A_80] : memref<81920x1000xf32, #tpu.memory_space<hbm>> -> memref<16x1000xf32, #tpu.memory_space<hbm>>
    tpu.enqueue_dma source(%arg10 : memref<16x1000xf32, #tpu.memory_space<vmem>>) target(%dma_start3A_81 : memref<16x1000xf32, #tpu.memory_space<hbm>>) target_semaphore(%arg20 : memref<!tpu.dma_semaphore, #tpu.memory_space<semaphore_mem>>)
    %add3A_82 = arith.constant 2512 : i32
    %add3A_83 = arith.addi %mul3A_2, %add3A_82 : i32
    %dma_wait3A_84 = arith.constant 0 : i32
    %dma_wait3A_85 = tpu.memref_slice %arg4[%add3A_83, %dma_wait3A_84] : memref<81920x1000xf32, #tpu.memory_space<hbm>> -> memref<16x1000xf32, #tpu.memory_space<hbm>>
    %dma_wait3A_86 = arith.constant 0 : i32
    %dma_wait3A_87 = tpu.memref_slice %arg4[%add3A_83, %dma_wait3A_86] : memref<81920x1000xf32, #tpu.memory_space<hbm>> -> memref<16x1000xf32, #tpu.memory_space<hbm>>
    tpu.wait_dma2 semaphore(%arg18 : memref<!tpu.dma_semaphore, #tpu.memory_space<semaphore_mem>>) src(%arg8 : memref<16x1000xf32, #tpu.memory_space<vmem>>) dst(%dma_wait3A_87 : memref<16x1000xf32, #tpu.memory_space<hbm>>)
    %add3A_88 = arith.constant 2528 : i32
    %add3A_89 = arith.addi %mul3A_2, %add3A_88 : i32
    %dma_wait3A_90 = arith.constant 0 : i32
    %dma_wait3A_91 = tpu.memref_slice %arg4[%add3A_89, %dma_wait3A_90] : memref<81920x1000xf32, #tpu.memory_space<hbm>> -> memref<16x1000xf32, #tpu.memory_space<hbm>>
    %dma_wait3A_92 = arith.constant 0 : i32
    %dma_wait3A_93 = tpu.memref_slice %arg4[%add3A_89, %dma_wait3A_92] : memref<81920x1000xf32, #tpu.memory_space<hbm>> -> memref<16x1000xf32, #tpu.memory_space<hbm>>
    tpu.wait_dma2 semaphore(%arg19 : memref<!tpu.dma_semaphore, #tpu.memory_space<semaphore_mem>>) src(%arg9 : memref<16x1000xf32, #tpu.memory_space<vmem>>) dst(%dma_wait3A_93 : memref<16x1000xf32, #tpu.memory_space<hbm>>)
    %add3A_94 = arith.constant 2544 : i32
    %add3A_95 = arith.addi %mul3A_2, %add3A_94 : i32
    %dma_wait3A_96 = arith.constant 0 : i32
    %dma_wait3A_97 = tpu.memref_slice %arg4[%add3A_95, %dma_wait3A_96] : memref<81920x1000xf32, #tpu.memory_space<hbm>> -> memref<16x1000xf32, #tpu.memory_space<hbm>>
    %dma_wait3A_98 = arith.constant 0 : i32
    %dma_wait3A_99 = tpu.memref_slice %arg4[%add3A_95, %dma_wait3A_98] : memref<81920x1000xf32, #tpu.memory_space<hbm>> -> memref<16x1000xf32, #tpu.memory_space<hbm>>
    tpu.wait_dma2 semaphore(%arg20 : memref<!tpu.dma_semaphore, #tpu.memory_space<semaphore_mem>>) src(%arg10 : memref<16x1000xf32, #tpu.memory_space<vmem>>) dst(%dma_wait3A_99 : memref<16x1000xf32, #tpu.memory_space<hbm>>)
    return
  }
}

</mosaic_0001>

<sc_bundles>
// kernel: kernel.3.cloned.1.call-start
scs
__scs_entry_jumppad:
0x0: {  	(pc) =	sbr.rel $0x88, $3  }
0x1: {  	(tag) =	ssettag $0x0;
	lr =	simm.s32 $0x1  }
0x2: {  	[smem:$0x3F9F] =	sst lr;
	_ =	strace $0xD0000000  }
0x3: {  	_ = 	snop  }
0x4: {  	_ = 	snop  }
0x5: {  	_ = 	snop  }
0x6: {  	_ = 	snop  }
0x7: {  	_ = 	snop  }
__scs_overlays_trampoline_lowered:
0x8: {  	[smem:$0x3FAE] =	sst s0  }
0x9: {  	[smem:$0x3FAF] =	sst s1  }
0xa: {  	[smem:$0x3FB0] =	sst s2  }
0xb: {  	[smem:$0x3FB1] =	sst s3  }
0xc: {  	[smem:$0x3FB2] =	sst s4  }
0xd: {  	[smem:$0x3FB3] =	sst s5  }
0xe: {  	[smem:$0x3FB4] =	sst s6  }
0xf: {  	[smem:$0x3FB5] =	sst s7  }
0x10: {  	[smem:$0x3FB6] =	sst s8  }
0x11: {  	[smem:$0x3FB7] =	sst s9;
	s0 =	simm.s32 @!p0 $0x0  }
0x12: {  	s1 =	sld [smem:$0x3F9D];
	s0 =	simm.s32 @p0 $0x1  }
0x13: {  	[smem:$0x3FB8] =	sst s0;
	s0 =	simm.s32 @!p1 $0x0  }
0x14: {  	s2 =	sld [smem:$0x3F9C];
	s0 =	simm.s32 @p1 $0x1  }
0x15: {  	[smem:$0x3FB9] =	sst s0;
	s0 =	simm.s32 @!p2 $0x0  }
0x16: {  	s3 =	sld [smem:$0x3FDB];
	s0 =	simm.s32 @p2 $0x1  }
0x17: {  	s4 =	simm.s32 $0x1BF5;
	[smem:$0x3FBB] =	sst s0  }
0x18: {  	s0 =	sld [smem:$0x3F9E];
	_ =	swait.ge [sflag:s4], $0x0  }
0x19: {  	s7 =	sld [smem:$0x3F9F]  }
0x1a: {  	s8 =	sadd.s32 $0xFFFFE003, lr  }
0x1b: {  	s9 =	sadd.s32 $0xFFFFFEF7, lr;
	s5 =	simm.s32 $0xFFFFFFFF;
	p2 =	slt.u32 s8, $0xFFFFF086  }
0x1c: {  	p1 =	slt.u32 s9, $0xF7A;
	s5 =	simm.s32 @!p2 $0x0  }
0x1d: {  	s5 =	simm.s32 @p1 $0x1;
	p0 =	seq.s32 s7, s2  }
0x1e: {  	s7 =	smul.u32 @!p0 $0xF7A, s2;
	p2 =	seq.s32 @!p0 s5, $0x0  }
0x1f: {  	s9 =	smul.u32 $0xF7A, s1;
	s8 =	simm.s32 @!p0 $0x1BF5;
	p2 =	por !p2, p0  }
0x20: {  	[sflag:s8] =	ssyncset.s32 @!p0 $0xFFFFF086;
	s6 =	sadd.s32 @!p0 s3, s7;
	s7 =	simm.s32 @!p0 $0x108  }
0x21: {  	s3 =	sadd.s32 s3, s9;
	s6 =	sadd.s32 @!p0 $0x88, s6;
	s7 =	simm.s32 @p2 $0x1082  }
0x22: {  	[simem:s7], [sflag:s8] =	dma.local @!p0 [hbm:s6], $0xF7A  }
0x23: {  	s9 =	sor.u32 $0xD0000000, s2;
	s6 =	simm.s32 $0x108;
	_ =	swait.ge @!p0 [sflag:s8], $0x0  }
0x24: {  	s3 =	sadd.s32 $0x88, s3;
	s6 =	simm.s32 @!p1 $0x1082;
	[sflag:s4] =	ssyncset.s32 $0xFFFFF086  }
0x25: {  	[simem:s6], [sflag:s4] =	dma.local [hbm:s3], $0xF7A  }
0x26: {  	[smem:$0x3F9F] =	sst s1;
	(tag) =	ssettag s2;
	_ =	strace s9  }
0x27: {  	s1 =	sld [smem:$0x3FAF]  }
0x28: {  	s2 =	sld [smem:$0x3FB0]  }
0x29: {  	s4 =	sld [smem:$0x3FB2]  }
0x2a: {  	p0 =	seq.s32 s5, $0x0;
	s5 =	sld [smem:$0x3FB3]  }
0x2b: {  	s6 =	sld [smem:$0x3FB4]  }
0x2c: {  	s7 =	sld [smem:$0x3FB5]  }
0x2d: {  	s3 =	simm.s32 $0x108;
	s8 =	sld [smem:$0x3FB6]  }
0x2e: {  	s3 =	simm.s32 @!p0 $0x1082;
	s9 =	sld [smem:$0x3FB7]  }
0x2f: {  	lr =	sadd.s32 s0, s3;
	s0 =	sld [smem:$0x3FAE]  }
0x30: {  	s3 =	sld [smem:$0x3FB1]  }
0x31: {  	[smem:$0x3FBA] =	sst s10  }
0x32: {  	s10 =	sld [smem:$0x3FB8];
	_ =	sdelay $0x3  }
0x33: {  	p0 =	seq.s32 s10, $0x1;
	s10 =	sld [smem:$0x3FBA];
	_ =	sdelay $0x3  }
0x34: {  	[smem:$0x3FBA] =	sst s10  }
0x35: {  	s10 =	sld [smem:$0x3FB9];
	_ =	sdelay $0x3  }
0x36: {  	p1 =	seq.s32 s10, $0x1;
	s10 =	sld [smem:$0x3FBA];
	_ =	sdelay $0x3  }
0x37: {  	[smem:$0x3FBA] =	sst s10  }
0x38: {  	s10 =	sld [smem:$0x3FBB]  }
0x39: {  	_ = 	snop;
	(pc) =	sbr.ind lr, $3  }
0x3a: {  	_ = 	snop  }
0x3b: {  	_ = 	snop  }
0x3c: {  	p2 =	seq.s32 s10, $0x1;
	s10 =	sld [smem:$0x3FBA]  }
0x3d: {  	_ =	shalt  }
0x3e: {  	_ =	shalt  }
0x3f: {  	_ =	shalt  }
0x40: {  	_ =	shalt  }
0x41: {  	_ =	shalt  }
0x42: {  	_ =	shalt  }
0x43: {  	_ =	shalt  }
0x44: {  	_ =	shalt  }
0x45: {  	_ =	shalt  }
0x46: {  	_ =	shalt  }
0x47: {  	_ =	shalt  }
0x48: {  	_ =	shalt  }
0x49: {  	_ =	shalt  }
0x4a: {  	_ =	shalt  }
0x4b: {  	_ =	shalt  }
0x4c: {  	_ =	shalt  }
0x4d: {  	_ =	shalt  }
0x4e: {  	_ =	shalt  }
0x4f: {  	_ =	shalt  }
0x50: {  	_ =	shalt  }
0x51: {  	_ =	shalt  }
0x52: {  	_ =	shalt  }
0x53: {  	_ =	shalt  }
0x54: {  	_ =	shalt  }
0x55: {  	_ =	shalt  }
0x56: {  	_ =	shalt  }
0x57: {  	_ =	shalt  }
0x58: {  	_ =	shalt  }
0x59: {  	_ =	shalt  }
0x5a: {  	_ =	shalt  }
0x5b: {  	_ =	shalt  }
0x5c: {  	_ =	shalt  }
0x5d: {  	_ =	shalt  }
0x5e: {  	_ =	shalt  }
0x5f: {  	_ =	shalt  }
0x60: {  	_ =	shalt  }
0x61: {  	_ =	shalt  }
0x62: {  	_ =	shalt  }
0x63: {  	_ =	shalt  }
0x64: {  	_ =	shalt  }
0x65: {  	_ =	shalt  }
0x66: {  	_ =	shalt  }
0x67: {  	_ =	shalt  }
0x68: {  	_ =	shalt  }
0x69: {  	_ =	shalt  }
0x6a: {  	_ =	shalt  }
0x6b: {  	_ =	shalt  }
0x6c: {  	_ =	shalt  }
0x6d: {  	_ =	shalt  }
0x6e: {  	_ =	shalt  }
0x6f: {  	_ =	shalt  }
0x70: {  	_ =	shalt  }
0x71: {  	_ =	shalt  }
0x72: {  	_ =	shalt  }
0x73: {  	_ =	shalt  }
0x74: {  	_ =	shalt  }
0x75: {  	_ =	shalt  }
0x76: {  	_ =	shalt  }
0x77: {  	_ =	shalt  }
0x78: {  	_ =	shalt  }
0x79: {  	_ =	shalt  }
0x7a: {  	_ =	shalt  }
0x7b: {  	_ =	shalt  }
0x7c: {  	_ =	shalt  }
0x7d: {  	_ =	shalt  }
0x7e: {  	_ =	shalt  }
0x7f: {  	_ =	shalt  }
0x80: {  	_ =	shalt  }
0x81: {  	_ =	shalt  }
0x82: {  	_ =	shalt  }
0x83: {  	_ =	shalt  }
0x84: {  	_ =	shalt  }
0x85: {  	_ =	shalt  }
0x86: {  	_ =	shalt  }
0x87: {  	_ =	shalt  }
.Lfunc_end0:
.L_simem_size_0:
called_computation.1_lowered:
.L_overlay_start_0:
0x88: {  	s2 =	sld [smem:$0x3FD9]  }
0x89: {  	s3 =	sld [smem:$0x3FFE];
	_ =	sdelay $0x1  }
0x8a: {  	s1 =	srdreg.scid  }
0x8b: {  	s0 =	sand.u32 $0x1, s1  }
0x8c: {  	s17 =	sshll.u32 s0, $0xA;
	s2 =	sadd.s32 s3, s2  }
0x8d: {  	s2 =	sadd.s32 s2, s17  }
0x8e: {  	[smem:$0x3FC6] =	sst s2  }
0x8f: {  	_ = 	snop  }
0x90: {  	s2 =	sld [smem:$0x3FD0];
	(tm) =	ssettm $0x1  }
0x91: {  	s18 =	sld [smem:$0x3FFB];
	_ =	sdelay $0x3  }
0x92: {  	_ =	strace s18  }
0x93: {  	s3 =	sld [smem:$0x3FFC];
	_ =	sdelay $0x3  }
0x94: {  	_ =	strace s3  }
0x95: {  	s3 =	sld [smem:$0x3FFD];
	_ =	sdelay $0x3  }
0x96: {  	_ =	strace s3  }
0x97: {  	_ =	strace $0x8FFFFFFF  }
0x98: {  	s19 =	sld [smem:$0x3FDB];
	_ =	sdelay $0x1  }
0x99: {  	s4 =	simm.s32 $_scs_section_size  }
0x9a: {  	s5 =	simm.s32 $_size__tile_overlayer_lowered;
	s6 =	simm.s32 $_tile_overlayer_lowered  }
0x9b: {  	s22 =	simm.s32 $0x1BFF;
	s21 =	sshll.u32 s6, $0x1;
	s3 =	sadd.s32 s4, s19  }
0x9c: {  	s7 =	simm.s32 $0x0;
	s20 =	sshll.u32 s5, $0x1;
	s5 =	sadd.s32 s21, s3  }
0x9d: {  	[timem:s7], [sflag:s22] =	dma.local [hbm:s5], s20  }
0x9e: {  	_ =	swait.ge [sflag:s22], s20  }
0x9f: {  	s4 =	ssub.s32 $0x0, s20;
	[sflag:s22] =	ssyncset.done $0x0  }
0xa0: {  	[sflag:s22] =	ssyncadd.s32 s4;
	_ =	sdelay $0x1  }
0xa1: {  	s23 =	simm.s32 $0x1B8B  }
0xa2: {  	_ =	swait.ge [sflag:s23], $0x1  }
0xa3: {  	[sflag:s23] =	ssyncset.done $0x0  }
0xa4: {  	s25 =	simm.s32 $0x1B8E;
	s24 =	sld [smem:$0x3FFE];
	[sflag:s23] =	ssyncadd.s32 $0xFFFFFFFF  }
0xa5: {  	s26 =	simm.s32 $execute0_lowered;
	[smem:$0x3FD2] =	sst s25  }
0xa6: {  	s5 =	sshll.u32 s26, $0x1;
	_ =	strace $0x80000046;
	[dreg:$0x1] =	wrdreg $0xFFFFFFFF  }
0xa7: {  	s28 =	simm.s32 $_size_execute0_lowered;
	s3 =	sadd.s32 s3, s5;
	[dreg:$0x0] =	wrdreg $0x0  }
0xa8: {  	s5 =	sshll.u32 s28, $0x1;
	[dreg:$0x2] =	wrdreg s3  }
0xa9: {  	[dreg:$0x3] =	wrdreg s5  }
0xaa: {  	[dreg:$0x4] =	wrdreg $0xC0  }
0xab: {  	_ =	task [dreg:s7], $0x5FFFF  }
0xac: {  	[dreg:$0x1] =	wrdreg $0xFFFFFFFF  }
0xad: {  	[dreg:$0x0] =	wrdreg $0x60  }
0xae: {  	[dreg:$0x2] =	wrdreg s24  }
0xaf: {  	[dreg:$0x3] =	wrdreg s2  }
0xb0: {  	[dreg:$0x4] =	wrdreg $0x0  }
0xb1: {  	[dreg:$0x5] =	wrdreg $0x9  }
0xb2: {  	_ =	task.clear_ibuf [dreg:s7], $0x6FFFF;
	_ =	strace $0x90000046  }
0xb3: {  	s29 =	simm.s32 $0x9;
	_ =	strace $0x80000048  }
0xb4: {  	_ =	swait.ge [sflag:s29], $0x1  }
0xb5: {  	[sflag:s29] =	ssyncadd.s32 $0xFFFFFFFF  }
0xb6: {  	_ =	strace $0x90000048  }
0xb7: {  	_ =	sfence  }
0xb8: {  	s30 =	sld [smem:$0x0];
	_ =	sdelay $0x2  }
0xb9: {  	s31 =	sshll.u32 s1, $0xD;
	s1 =	sshrl.u32 s1, $0x2  }
0xba: {  	s3 =	sand.u32 $0x4000, s31;
	s1 =	sadd.s32 s1, s30  }
0xbb: {  	s0 =	sor.u32 s3, s0;
	s1 =	sshll.u32 s1, $0x11  }
0xbc: {  	s0 =	sor.u32 s1, s0  }
0xbd: {  	s0 =	sadd.s32 $0x8F2B, s0  }
0xbe: {  	[sflag:s0] =	ssyncadd.remote.s32 $0x1  }
0xbf: {  	_ =	sfence.sel $0xFFFF  }
0xc0: {  	[dreg:$0x0] =	wrdreg $0xFFFFFFFF;
	(pc) =	sbr.abs _section_cstart, $3  }
0xc1: {  	[dreg:$0x1] =	wrdreg $0xFFFFFFFF  }
0xc2: {  	_ =	task.clear_ibuf [dreg:s7], $0x2FFFF;
	_ =	strace $0x9FFFFFFF  }
0xc3: {  	(tm) =	ssettm $0x7FFFFFFF  }
tec
execute0_lowered:
.L_overlay_start_1:
0x0: {  	(tag) =	ssettag $0x1  }
0x1: {  	s0 =	rddreg [dreg:$0x0]  }
0x2: {  	s9 =	rddreg [dreg:$0x1];
	s2 =	srdreg.scid  }
0x3: {  	s10 =	stileid.u32;
	s1 =	rddreg [dreg:$0x2];
	s14 =	simm.s32 $0x10  }
0x4: {  	s15 =	simm.s32 $0xFE28;
	s17 =	simm.s32 $0x13CA8;
	s18 =	simm.s32 $0x3  }
0x5: {  	s20 =	simm.s32 $0x17B28;
	s21 =	simm.s32 $0x4;
	s28 =	simm.s32 $0x8  }
0x6: {  	s29 =	simm.s32 $0x9;
	s30 =	simm.s32 $0xA;
	s31 =	simm.s32 $0x0  }
0x7: {  	s7 =	sand.u32 $0x1, s2;
	s3 =	sshll.u32 s10, $0x1;
	s12 =	smul.u32 $0x9C400, s10  }
0x8: {  	s2 =	simm.s32 $0x0;
	s4 =	sor.u32 s7, s3;
	s13 =	smul.u32 $0x4E200, s7  }
0x9: {  	p0 =	sne.s32 s10, $0x0;
	[smem:$0x7FF] =	sst s2;
	s3 =	smul.u32 $0xA00, s4  }
0xa: {  	s6 =	ssub.s32 $0x2, s7;
	_ =	strace $0x80000047;
	s8 =	smul.u32 $0x271000, s4  }
0xb: {  	s22 =	sshrl.u32 s6, $0x1;
	s23 =	smul.u32 $0x4E200, s4;
	s26 =	sadd.s32 s12, s9  }
0xc: {  	s12 =	sshrl.u32 @!p0 s1, $0x3;
	s11 =	ssub.s32 s6, s22;
	s5 =	sshrl.u32 s3, $0x3  }
0xd: {  	s3 =	sadd.s32 $0x3000, s0;
	s24 =	sshrl.u32 s8, $0x3;
	s0 =	sadd.s32 s5, s0  }
0xe: {  	s25 =	sadd.s32 s9, s24;
	s5 =	sadd.s32 s9, s23;
	s9 =	smax.u32 s11, $0x1  }
0xf: {  	s11 =	simm.s32 $0xF428;
	s23 =	simm.s32 $0x1B9A8;
	s24 =	simm.s32 $0x5  }
0x10: {  	s4 =	sadd.s32 $0x800, s0;
	s6 =	sadd.s32 $0x7D0, s25;
	s7 =	sadd.s32 $0x4D260, s25  }
0x11: {  	s8 =	sadd.s32 $0x4DA30, s25;
	s0 =	sadd.s32 s13, s26;
	s13 =	simm.s32 $0x1  }
0x12: {  	s25 =	simm.s32 $0x7;
	s26 =	simm.s32 $0x6;
	s10 =	sadd.s32 $0x1770, s0  }
.LBB2_1:
0x13: {  	[tilespmem:s11], [sflag:$0x1] =	stream.linear.gather [hbm4b:s4+s2], $0xA00, $0x38;
	[tilespmem:$0x1F828] =	vst v63  }
0x14: {  	s0 =	simm.s32 @!p0 $0x1C02  }
0x15: {  	[spmem:s12], [sflag:s0] =	dma.local @!p0 [hbm:s3], $0x1E848  }
0x16: {  	s0 =	simm.s32 @!p0 $0x2  }
0x17: {  	_ =	swait.ge @!p0 [sflag:s0], $0x1E848  }
0x18: {  	[sflag:s0] =	ssyncset.done @!p0 $0x0  }
0x19: {  	[sflag:s0] =	ssyncadd.s32 @!p0 $0xFFFE17B8  }
0x1a: {  	[bflag:$0x0] =	sbarrier.arrive $0xFFFF  }
0x1b: {  	_ =	swait.ge [sflag:s13], $0xA00  }
0x1c: {  	[sflag:s13] =	ssyncset.done $0x0  }
0x1d: {  	[sflag:s13] =	ssyncadd.s32 $0xFFFFF600  }
0x1e: {  	[tilespmem:s15], [sflag:$0x3] =	stream.indirect.gather [spmem:s1], $0x3E8, s11, s14, $0xb8;
	[tilespmem:$0x1F828] =	vst v63  }
0x1f: {  	s16 =	simm.s32 $0xF438  }
0x20: {  	[tilespmem:s17], [sflag:$0x4] =	stream.indirect.gather [spmem:s1], $0x3E8, s16, s14, $0xb8;
	[tilespmem:$0x1F828] =	vst v63  }
0x21: {  	_ =	swait.ge [sflag:s18], $0x3E80  }
0x22: {  	[sflag:s18] =	ssyncset.done $0x0  }
0x23: {  	[sflag:s18] =	ssyncadd.s32 $0xFFFFC180  }
0x24: {  	[hbm4b:s5+s2] =	stream.linear.scatter [tilespmem:s15], [sflag:$0x7], $0x3E80, $0x38;
	[tilespmem:$0x1F828] =	vst v63  }
0x25: {  	s19 =	simm.s32 $0xF448  }
0x26: {  	[tilespmem:s20], [sflag:$0x5] =	stream.indirect.gather [spmem:s1], $0x3E8, s19, s14, $0xb8;
	[tilespmem:$0x1F828] =	vst v63  }
0x27: {  	_ =	swait.ge [sflag:s21], $0x3E80  }
0x28: {  	[sflag:s21] =	ssyncset.done $0x0  }
0x29: {  	[sflag:s21] =	ssyncadd.s32 $0xFFFFC180  }
0x2a: {  	[hbm4b:s6+s2] =	stream.linear.scatter [tilespmem:s17], [sflag:$0x8], $0x3E80, $0x38;
	[tilespmem:$0x1F828] =	vst v63  }
0x2b: {  	s22 =	simm.s32 $0xF458  }
0x2c: {  	[tilespmem:s23], [sflag:$0x6] =	stream.indirect.gather [spmem:s1], $0x3E8, s22, s14, $0xb8;
	[tilespmem:$0x1F828] =	vst v63  }
0x2d: {  	_ =	swait.ge [sflag:s24], $0x3E80  }
0x2e: {  	[sflag:s24] =	ssyncset.done $0x0  }
0x2f: {  	s16 =	sadd.s32 $0xFFFFF830, s10;
	[sflag:s24] =	ssyncadd.s32 $0xFFFFC180  }
0x30: {  	[hbm4b:s16+s2] =	stream.linear.scatter [tilespmem:s20], [sflag:$0x9], $0x3E80, $0x38;
	[tilespmem:$0x1F828] =	vst v63  }
0x31: {  	_ =	swait.ge [sflag:s25], $0x3E80  }
0x32: {  	[sflag:s25] =	ssyncset.done $0x0  }
0x33: {  	s19 =	simm.s32 $0xF468;
	[sflag:s25] =	ssyncadd.s32 $0xFFFFC180  }
0x34: {  	[tilespmem:s15], [sflag:$0x3] =	stream.indirect.gather [spmem:s1], $0x3E8, s19, s14, $0xb8;
	[tilespmem:$0x1F828] =	vst v63  }
0x35: {  	_ =	swait.ge [sflag:s26], $0x3E80  }
0x36: {  	[sflag:s26] =	ssyncset.done $0x0  }
0x37: {  	[sflag:s26] =	ssyncadd.s32 $0xFFFFC180  }
0x38: {  	[hbm4b:s10+s2] =	stream.linear.scatter [tilespmem:s23], [sflag:$0xA], $0x3E80, $0x38;
	[tilespmem:$0x1F828] =	vst v63  }
0x39: {  	_ =	swait.ge [sflag:s28], $0x3E80  }
0x3a: {  	[sflag:s28] =	ssyncset.done $0x0  }
0x3b: {  	s22 =	simm.s32 $0xF478;
	[sflag:s28] =	ssyncadd.s32 $0xFFFFC180  }
0x3c: {  	[tilespmem:s17], [sflag:$0x4] =	stream.indirect.gather [spmem:s1], $0x3E8, s22, s14, $0xb8;
	[tilespmem:$0x1F828] =	vst v63  }
0x3d: {  	_ =	swait.ge [sflag:s18], $0x3E80  }
0x3e: {  	[sflag:s18] =	ssyncset.done $0x0  }
0x3f: {  	s16 =	sadd.s32 $0x7D0, s10;
	[sflag:s18] =	ssyncadd.s32 $0xFFFFC180  }
0x40: {  	[hbm4b:s16+s2] =	stream.linear.scatter [tilespmem:s15], [sflag:$0x7], $0x3E80, $0x38;
	[tilespmem:$0x1F828] =	vst v63  }
0x41: {  	_ =	swait.ge [sflag:s29], $0x3E80  }
0x42: {  	[sflag:s29] =	ssyncset.done $0x0  }
0x43: {  	s19 =	simm.s32 $0xF488;
	[sflag:s29] =	ssyncadd.s32 $0xFFFFC180  }
0x44: {  	[tilespmem:s20], [sflag:$0x5] =	stream.indirect.gather [spmem:s1], $0x3E8, s19, s14, $0xb8;
	[tilespmem:$0x1F828] =	vst v63  }
0x45: {  	_ =	swait.ge [sflag:s21], $0x3E80  }
0x46: {  	[sflag:s21] =	ssyncset.done $0x0  }
0x47: {  	s22 =	sadd.s32 $0xFA0, s10;
	[sflag:s21] =	ssyncadd.s32 $0xFFFFC180  }
0x48: {  	[hbm4b:s22+s2] =	stream.linear.scatter [tilespmem:s17], [sflag:$0x8], $0x3E80, $0x38;
	[tilespmem:$0x1F828] =	vst v63  }
0x49: {  	_ =	swait.ge [sflag:s30], $0x3E80  }
0x4a: {  	s0 =	simm.s32 $0x100;
	[sflag:s30] =	ssyncset.done $0x0  }
0x4b: {  	s16 =	sadd.s32 $0x1F40, s10;
	s19 =	simm.s32 $0xF498;
	[sflag:s30] =	ssyncadd.s32 $0xFFFFC180  }
.LBB2_2:
0x4c: {  	[tilespmem:s23], [sflag:$0x6] =	stream.indirect.gather [spmem:s1], $0x3E8, s19, s14, $0xb8;
	[tilespmem:$0x1F828] =	vst v63  }
0x4d: {  	s19 =	smov.u32 s0  }
0x4e: {  	p1 =	sne.s32 s0, $0x2600;
	s0 =	sadd.s32 $0x100, s0;
	_ =	swait.ge [sflag:s24], $0x3E80  }
0x4f: {  	[sflag:s24] =	ssyncset.done $0x0  }
0x50: {  	s22 =	sadd.s32 $0xFFFFF830, s16;
	[sflag:s24] =	ssyncadd.s32 $0xFFFFC180  }
0x51: {  	[hbm4b:s22+s2] =	stream.linear.scatter [tilespmem:s20], [sflag:$0x9], $0x3E80, $0x38;
	[tilespmem:$0x1F828] =	vst v63  }
0x52: {  	_ =	swait.ge [sflag:s25], $0x3E80  }
0x53: {  	s19 =	sshra.s32 s19, $0x2;
	[sflag:s25] =	ssyncset.done $0x0  }
0x54: {  	s22 =	sadd.s32 $0xF468, s19;
	[sflag:s25] =	ssyncadd.s32 $0xFFFFC180  }
0x55: {  	[tilespmem:s15], [sflag:$0x3] =	stream.indirect.gather [spmem:s1], $0x3E8, s22, s14, $0xb8;
	[tilespmem:$0x1F828] =	vst v63  }
0x56: {  	_ =	swait.ge [sflag:s26], $0x3E80  }
0x57: {  	[sflag:s26] =	ssyncset.done $0x0  }
0x58: {  	[sflag:s26] =	ssyncadd.s32 $0xFFFFC180  }
0x59: {  	[hbm4b:s16+s2] =	stream.linear.scatter [tilespmem:s23], [sflag:$0xA], $0x3E80, $0x38;
	[tilespmem:$0x1F828] =	vst v63  }
0x5a: {  	_ =	swait.ge [sflag:s28], $0x3E80  }
0x5b: {  	[sflag:s28] =	ssyncset.done $0x0  }
0x5c: {  	s22 =	sadd.s32 $0xF478, s19;
	[sflag:s28] =	ssyncadd.s32 $0xFFFFC180  }
0x5d: {  	[tilespmem:s17], [sflag:$0x4] =	stream.indirect.gather [spmem:s1], $0x3E8, s22, s14, $0xb8;
	[tilespmem:$0x1F828] =	vst v63  }
0x5e: {  	_ =	swait.ge [sflag:s18], $0x3E80  }
0x5f: {  	[sflag:s18] =	ssyncset.done $0x0  }
0x60: {  	s22 =	sadd.s32 $0x7D0, s16;
	[sflag:s18] =	ssyncadd.s32 $0xFFFFC180  }
0x61: {  	[hbm4b:s22+s2] =	stream.linear.scatter [tilespmem:s15], [sflag:$0x7], $0x3E80, $0x38;
	[tilespmem:$0x1F828] =	vst v63  }
0x62: {  	_ =	swait.ge [sflag:s29], $0x3E80  }
0x63: {  	[sflag:s29] =	ssyncset.done $0x0  }
0x64: {  	s22 =	sadd.s32 $0xF488, s19;
	[sflag:s29] =	ssyncadd.s32 $0xFFFFC180  }
0x65: {  	[tilespmem:s20], [sflag:$0x5] =	stream.indirect.gather [spmem:s1], $0x3E8, s22, s14, $0xb8;
	[tilespmem:$0x1F828] =	vst v63  }
0x66: {  	_ =	swait.ge [sflag:s21], $0x3E80  }
0x67: {  	[sflag:s21] =	ssyncset.done $0x0  }
.Ltmp0:
0x68: {  	s22 =	sadd.s32 $0xFA0, s16;
	[sflag:s21] =	ssyncadd.s32 $0xFFFFC180;
	(pc) =	sbr.rel @p1 .LBB2_2-.Ltmp0, $4  }
0x69: {  	[hbm4b:s22+s2] =	stream.linear.scatter [tilespmem:s17], [sflag:$0x8], $0x3E80, $0x38;
	[tilespmem:$0x1F828] =	vst v63  }
0x6a: {  	_ =	swait.ge [sflag:s30], $0x3E80  }
0x6b: {  	[sflag:s30] =	ssyncset.done $0x0  }
0x6c: {  	s19 =	sadd.s32 $0xF498, s19;
	s16 =	sadd.s32 $0x1F40, s16;
	[sflag:s30] =	ssyncadd.s32 $0xFFFFC180  }
0x6d: {  	[tilespmem:s23], [sflag:$0x6] =	stream.indirect.gather [spmem:s1], $0x3E8, s19, s14, $0xb8;
	[tilespmem:$0x1F828] =	vst v63  }
0x6e: {  	_ =	swait.ge [sflag:s24], $0x3E80  }
0x6f: {  	[sflag:s24] =	ssyncset.done $0x0  }
0x70: {  	[sflag:s24] =	ssyncadd.s32 $0xFFFFC180  }
0x71: {  	[hbm4b:s7+s2] =	stream.linear.scatter [tilespmem:s20], [sflag:$0x9], $0x3E80, $0x38;
	[tilespmem:$0x1F828] =	vst v63  }
0x72: {  	_ =	swait.ge [sflag:s25], $0x3E80  }
0x73: {  	[sflag:s25] =	ssyncset.done $0x0  }
0x74: {  	[sflag:s25] =	ssyncadd.s32 $0xFFFFC180  }
0x75: {  	_ =	swait.ge [sflag:s26], $0x3E80  }
0x76: {  	[sflag:s26] =	ssyncset.done $0x0  }
0x77: {  	[sflag:s26] =	ssyncadd.s32 $0xFFFFC180  }
0x78: {  	[hbm4b:s8+s2] =	stream.linear.scatter [tilespmem:s23], [sflag:$0xA], $0x3E80, $0x38;
	[tilespmem:$0x1F828] =	vst v63  }
0x79: {  	_ =	swait.ge [sflag:s28], $0x3E80  }
0x7a: {  	[sflag:s28] =	ssyncset.done $0x0  }
0x7b: {  	s31 =	sadd.s32 $0x1, s31;
	[sflag:s28] =	ssyncadd.s32 $0xFFFFC180  }
0x7c: {  	p1 =	sne.s32 s31, s9;
	_ =	swait.ge [sflag:s29], $0x3E80  }
.Ltmp1:
0x7d: {  	[sflag:s29] =	ssyncset.done $0x0;
	(pc) =	sbr.rel @p1 .LBB2_1-.Ltmp1, $4  }
0x7e: {  	[sflag:s29] =	ssyncadd.s32 $0xFFFFC180  }
0x7f: {  	_ =	swait.ge [sflag:s30], $0x3E80  }
0x80: {  	[sflag:s30] =	ssyncset.done $0x0  }
0x81: {  	[sflag:s30] =	ssyncadd.s32 $0xFFFFC180  }
0x82: {  	_ =	sfence.sel $0x180000  }
0x83: {  	[bflag:$0x0] =	sbarrier.arrive $0xFFFF  }
0x84: {  	_ =	strace $0x90000047  }
0x85: {  	[bflag:$0x2] =	sbarrier.arrive $0xFFFF  }
0x86: {  	s0 =	rddreg [dreg:$0x3]  }
0x87: {  	s0 =	sadd.s32 @!p0 $0x100000, s0  }
0x88: {  	[sflag:s0] =	ssyncadd.tile.s32 @!p0 $0x1;
	_ =	shalt  }
.Lfunc_end2:
_tile_overlayer_lowered:
.L_overlay_start_2:
0x89: {  	(tag) =	ssettag $0x2  }
0x8a: {  	s0 =	rddreg [dreg:$0x0];
	s2 =	stileid.u32  }
0x8b: {  	s1 =	rddreg [dreg:$0x1];
	p0 =	sne.s32 s2, $0x0  }
0x8c: {  	s3 =	rddreg [dreg:$0x2];
	[bflag:$0x3] =	sbarrier.arrive $0xFFFF;
	s2 =	simm.s32 @!p0 $0x1C0B  }
0x8d: {  	[timem:s3], [sflag:s2] =	dma.local @!p0 [hbm:s0], s1  }
0x8e: {  	s0 =	simm.s32 @!p0 $0xB  }
0x8f: {  	_ =	swait.ge @!p0 [sflag:s0], s1  }
0x90: {  	s1 =	ssub.s32 @!p0 $0x0, s1;
	[sflag:s0] =	ssyncset.done @!p0 $0x0  }
0x91: {  	[sflag:s0] =	ssyncadd.s32 @!p0 s1  }
0x92: {  	[bflag:$0x3] =	sbarrier.arrive $0xFFFF  }
0x93: {  	_ =	shalt  }

// kernel: sparse-core-data-format-call.cloned.1.call-start
scs
called_computation_lowered:
.L_overlay_start_0:
0x0: {  	s2 =	sld [smem:$0x3FD9]  }
0x1: {  	s3 =	sld [smem:$0x3FFE];
	_ =	sdelay $0x1  }
0x2: {  	s1 =	srdreg.scid  }
0x3: {  	s0 =	sand.u32 $0x1, s1  }
0x4: {  	s18 =	sshll.u32 s0, $0xA;
	s2 =	sadd.s32 s3, s2  }
0x5: {  	s2 =	sadd.s32 s2, s18  }
0x6: {  	[smem:$0x3FC6] =	sst s2  }
0x7: {  	_ = 	snop  }
0x8: {  	s2 =	sld [smem:$0x3FD0];
	(tm) =	ssettm $0x1  }
0x9: {  	s19 =	sld [smem:$0x3FFB];
	_ =	sdelay $0x3  }
0xa: {  	_ =	strace s19  }
0xb: {  	s3 =	sld [smem:$0x3FFC];
	_ =	sdelay $0x3  }
0xc: {  	_ =	strace s3  }
0xd: {  	s3 =	sld [smem:$0x3FFD];
	_ =	sdelay $0x3  }
0xe: {  	_ =	strace s3  }
0xf: {  	_ =	strace $0x8FFFFFFF  }
0x10: {  	s20 =	sld [smem:$0x3FDB];
	_ =	sdelay $0x1  }
0x11: {  	s4 =	simm.s32 $_scs_section_size  }
0x12: {  	s5 =	simm.s32 $_size__tile_overlayer_lowered;
	s6 =	simm.s32 $_tile_overlayer_lowered  }
0x13: {  	s23 =	simm.s32 $0x1BFF;
	s22 =	sshll.u32 s6, $0x1;
	s3 =	sadd.s32 s4, s20  }
0x14: {  	s7 =	simm.s32 $0x0;
	s21 =	sshll.u32 s5, $0x1;
	s5 =	sadd.s32 s22, s3  }
0x15: {  	[timem:s7], [sflag:s23] =	dma.local [hbm:s5], s21  }
0x16: {  	_ =	swait.ge [sflag:s23], s21  }
0x17: {  	s4 =	ssub.s32 $0x0, s21;
	[sflag:s23] =	ssyncset.done $0x0  }
0x18: {  	[sflag:s23] =	ssyncadd.s32 s4;
	_ =	sdelay $0x1  }
0x19: {  	s24 =	simm.s32 $0x1B8B  }
0x1a: {  	_ =	swait.ge [sflag:s24], $0x1  }
0x1b: {  	[sflag:s24] =	ssyncset.done $0x0  }
0x1c: {  	s26 =	simm.s32 $0x1B8E;
	s25 =	sld [smem:$0x3FFE];
	[sflag:s24] =	ssyncadd.s32 $0xFFFFFFFF  }
0x1d: {  	s27 =	simm.s32 $execute0_lowered;
	[smem:$0x3FD2] =	sst s26  }
0x1e: {  	s5 =	sshll.u32 s27, $0x1;
	_ =	strace $0x80000049;
	[dreg:$0x1] =	wrdreg $0xFFFFFFFF  }
0x1f: {  	s28 =	simm.s32 $_size_execute0_lowered;
	s3 =	sadd.s32 s3, s5;
	[dreg:$0x0] =	wrdreg $0x0  }
0x20: {  	s5 =	sshll.u32 s28, $0x1;
	[dreg:$0x2] =	wrdreg s3  }
0x21: {  	[dreg:$0x3] =	wrdreg s5  }
0x22: {  	[dreg:$0x4] =	wrdreg $0xC0  }
0x23: {  	_ =	task [dreg:s7], $0x5FFFF  }
0x24: {  	[dreg:$0x1] =	wrdreg $0xFFFFFFFF  }
0x25: {  	[dreg:$0x0] =	wrdreg $0x60  }
0x26: {  	[dreg:$0x2] =	wrdreg s25  }
0x27: {  	[dreg:$0x3] =	wrdreg s2  }
0x28: {  	[dreg:$0x4] =	wrdreg $0x9  }
0x29: {  	_ =	task.clear_ibuf [dreg:s7], $0x5FFFF;
	_ =	strace $0x90000049  }
0x2a: {  	s29 =	simm.s32 $0x9;
	_ =	strace $0x8000004B  }
0x2b: {  	_ =	swait.ge [sflag:s29], $0x1  }
0x2c: {  	[sflag:s29] =	ssyncadd.s32 $0xFFFFFFFF  }
0x2d: {  	_ =	strace $0x9000004B  }
0x2e: {  	_ =	sfence  }
0x2f: {  	s30 =	sld [smem:$0x0];
	_ =	sdelay $0x2  }
0x30: {  	s31 =	sshll.u32 s1, $0xD;
	s1 =	sshrl.u32 s1, $0x2  }
0x31: {  	s3 =	sand.u32 $0x4000, s31;
	s1 =	sadd.s32 s1, s30  }
0x32: {  	s0 =	sor.u32 s3, s0;
	s1 =	sshll.u32 s1, $0x11  }
0x33: {  	s0 =	sor.u32 s1, s0  }
0x34: {  	s0 =	sadd.s32 $0x8F2B, s0  }
0x35: {  	[sflag:s0] =	ssyncadd.remote.s32 $0x1  }
0x36: {  	_ =	sfence.sel $0xFFFF  }
0x37: {  	[dreg:$0x0] =	wrdreg $0xFFFFFFFF;
	(pc) =	sbr.abs _section_cstart, $3  }
0x38: {  	[dreg:$0x1] =	wrdreg $0xFFFFFFFF  }
0x39: {  	_ =	task.clear_ibuf [dreg:s7], $0x2FFFF;
	_ =	strace $0x9FFFFFFF  }
0x3a: {  	(tm) =	ssettm $0x7FFFFFFF  }
0x3b: {  	_ =	shalt  }
tec
execute0_lowered:
.L_overlay_start_1:
0x0: {  	(tag) =	ssettag $0x1  }
0x1: {  	s0 =	srdreg.scid;
	s6 =	rddreg [dreg:$0x0]  }
0x2: {  	s3 =	rddreg [dreg:$0x1];
	s1 =	sshll.u32 s0, $0x4  }
0x3: {  	s5 =	simm.s32 $0x1;
	s0 =	stileid.u32;
	s1 =	sand.u32 $0x10, s1  }
0x4: {  	s31 =	simm.s32 $0x2;
	s16 =	simm.s32 $0x0;
	s1 =	sor.u32 s0, s1  }
0x5: {  	s8 =	simm.s32 $0x8000;
	s18 =	simm.s32 $0x0;
	s2 =	sshll.u32 s1, $0x7  }
0x6: {  	s17 =	simm.s32 $0x0;
	s9 =	simm.s32 $0x0;
	s4 =	ssub.s32 $0x1000, s2  }
0x7: {  	s10 =	simm.s32 $0x0;
	s11 =	simm.s32 $0x0;
	s30 =	sand.u32 $0xF80, s4  }
0x8: {  	s12 =	simm.s32 $0x0;
	s13 =	simm.s32 $0x0;
	p0 =	sne.s32 s30, $0x0  }
.Ltmp0:
0x9: {  	s7 =	sshrl.u32 s4, $0xC;
	s5 =	simm.s32 @!p0 $0x0;
	(pc) =	sbr.rel .LBB1_1-.Ltmp0, $4  }
0xa: {  	s15 =	simm.s32 $0x0;
	s1 =	rddreg [dreg:$0x2];
	s5 =	sadd.s32 s5, s7  }
0xb: {  	_ =	strace $0x8000004A;
	s4 =	simm.s32 $0x1;
	s5 =	smul.u32 $0xA0, s5  }
0xc: {  	s6 =	sadd.s32 $0x800, s6;
	s14 =	smov.u32 s2;
	[sflag:s4] =	ssyncpa.u1 $0x0  }
0xd: {  	[sflag:s31] =	ssyncpa.u1 $0x0;
	p0 =	por $0x0, $0x0;
	s7 =	sor.u32 $0x1, s5  }
.LBB1_4:
0xe: {  	s23 =	sshra.s32 s23, $0x2;
	s30 =	sshll.u32 s9, $0xC  }
0xf: {  	p1 =	sgt.s32 s10, $0x13;
	s24 =	smov.u32 s10;
	s25 =	sshra.s32 s10, $0x1F  }
0x10: {  	s26 =	sshll.u32 s11, $0x3;
	s28 =	smov.u32 s11;
	s29 =	sshra.s32 s11, $0x1F  }
0x11: {  	s22 =	sadd.s32 s23, s22;
	s24 =	simm.s32 @!p1 $0x13;
	s25 =	sand.u32 s25, s10  }
0x12: {  	s23 =	sand.u32 $0xFFFF8000, s30;
	s27 =	sand.u32 $0xFFFFFC00, s26;
	p1 =	sgt.s32 s9, $0x368  }
0x13: {  	s31 =	sand.u32 s29, s11;
	s29 =	sshll.u32 s9, $0x7;
	s30 =	sshra.s32 s9, $0x1F  }
0x14: {  	[tilespmem:s21+$0x2040 ss:$0x81] =	vst.msk $0xffff, v4;
	s24 =	ssub.s32 s24, s25;
	s23 =	sadd.s32 s27, s23;
	s27 =	smov.u32 s9  }
0x15: {  	[tilespmem:s21+$0x2850 ss:$0x81] =	vst.msk $0xffff, v3;
	s29 =	sand.u32 $0x380, s29;
	s25 =	sadd.s32 $0xFFFFFFED, s24;
	s27 =	simm.s32 @!p1 $0x368  }
0x16: {  	v5 =	vld [tilespmem:s20+$0xFFFFFFD0];
	[tilespmem:s21+$0x3060 ss:$0x81] =	vst.msk $0xffff, v2;
	p1 =	sgt.s32 s11, $0xF80;
	s23 =	sshrl.u32 s23, $0xC;
	s24 =	ssub.s32 $0x14, s24  }
0x17: {  	v58 =	vld [tilespmem:s20+$0xFFFFFFE0];
	[tilespmem:s21+$0x0 ss:$0x81] =	vst.msk $0xffff, v1;
	s28 =	simm.s32 @!p1 $0xF80;
	p1 =	sgt.s32 s25, $0x0;
	s21 =	smulhi.u32 $0x418938, s23  }
0x18: {  	v59 =	vld [tilespmem:s20+$0xFFFFFFF0];
	s25 =	ssub.s32 s28, s31;
	s28 =	sand.u32 s30, s9;
	s24 =	simm.s32 @p1 $0x0  }
0x19: {  	v60 =	vld [tilespmem:s20+$0x0];
	s27 =	ssub.s32 s27, s28;
	s31 =	sadd.s32 $0xFFFFF080, s25;
	s25 =	ssub.s32 $0x1000, s25  }
0x1a: {  	v61 =	vld [tilespmem:s20+$0x10];
	[tilespmem:s22+$0x3870 ss:$0x81] =	vst.msk $0xffff, v0;
	s21 =	smul.u32 $0x3E8, s21;
	s28 =	sand.u32 $0x7, s11;
	p1 =	sgt.s32 s31, $0x7F  }
0x1b: {  	v62 =	vld [tilespmem:s20+$0x20];
	[tilespmem:s22+$0x810 ss:$0x81] =	vst.msk $0xffff, v5;
	s30 =	sadd.s32 $0xFFFFFC98, s27;
	s31 =	sand.u32 $0x78, s11;
	s25 =	simm.s32 @p1 $0x0  }
0x1c: {  	v63 =	vld [tilespmem:s20+$0xFFFFFFC0];
	[tilespmem:s22+$0x1020 ss:$0x81] =	vst.msk $0xffff, v58;
	p1 =	sgt.s32 s30, $0x7F;
	s30 =	sand.u32 $0xC00, s26;
	s24 =	smul.u32 s25, s24  }
0x1d: {  	[tilespmem:s22+$0x1830 ss:$0x81] =	vst.msk $0xffff, v59;
	s26 =	ssub.s32 $0x3E8, s27;
	s20 =	sor.u32 s31, s30;
	s31 =	smul.u32 $0x7D000, s10  }
0x1e: {  	[tilespmem:s22+$0x2040 ss:$0x81] =	vst.msk $0xffff, v60;
	s21 =	ssub.s32 s23, s21;
	s26 =	simm.s32 @p1 $0x0;
	s20 =	sor.u32 s29, s20  }
0x1f: {  	[tilespmem:s22+$0x2850 ss:$0x81] =	vst.msk $0xffff, v61;
	s26 =	smul.u32 s26, s24;
	s20 =	sshrl.u32 s20, $0x3;
	s27 =	sadd.s32 s3, s31  }
0x20: {  	[tilespmem:s22+$0x3060 ss:$0x81] =	vst.msk $0xffff, v62;
	s21 =	sshll.u32 s21, $0x9;
	s29 =	sshll.u32 s28, $0x12;
	s20 =	sadd.s32 s20, s27  }
0x21: {  	[tilespmem:s22+$0x0 ss:$0x81] =	vst.msk $0xffff, v63;
	s31 =	sor.u32 $0x400, s29;
	s30 =	sand.u32 $0x3FFFFFFF, s26;
	s20 =	sadd.s32 s21, s20  }
0x22: {  	[hbm4b:s20+s31] =	stream.strided.scatter [tilespmem:s19], [sflag:$0x2], s30, s8, s31, $0x20;
	[tilespmem:$0x10100] =	vst v63  }
.LBB1_5:
0x23: {  	p1 =	slt.u32 s15, $0x2  }
0x24: {  	p2 =	sgt.s32 @!p1 s18, $0x13  }
0x25: {  	s19 =	smov.u32 s18;
	s20 =	sshra.s32 @!p1 s18, $0x1F;
	p2 =	por !p2, p1  }
0x26: {  	s18 =	sand.u32 @!p1 s20, s18;
	s19 =	simm.s32 @p2 $0x13  }
0x27: {  	p3 =	sgt.s32 @!p1 s16, $0x368;
	s18 =	ssub.s32 @!p1 s19, s18  }
0x28: {  	p4 =	sgt.s32 @!p1 s17, $0xF80;
	s21 =	sshra.s32 @!p1 s17, $0x1F;
	s19 =	sadd.s32 @!p1 $0xFFFFFFED, s18  }
0x29: {  	s20 =	smov.u32 s16;
	p2 =	sgt.s32 @!p1 s19, $0x0;
	s19 =	sshra.s32 @!p1 s16, $0x1F  }
0x2a: {  	p4 =	por !p4, p1;
	s16 =	sand.u32 @!p1 s19, s16;
	s19 =	smov.u32 s17  }
0x2b: {  	p3 =	por !p3, p1;
	s17 =	sand.u32 @!p1 s21, s17;
	s19 =	simm.s32 @p4 $0xF80  }
0x2c: {  	s20 =	simm.s32 @p3 $0x368;
	s18 =	ssub.s32 @!p1 $0x14, s18;
	s17 =	ssub.s32 @!p1 s19, s17  }
0x2d: {  	p2 =	por !p2, p1;
	s16 =	ssub.s32 @!p1 s20, s16;
	s20 =	sadd.s32 @!p1 $0xFFFFF080, s17  }
0x2e: {  	s18 =	simm.s32 @!p2 $0x0;
	p3 =	sgt.s32 @!p1 s20, $0x7F  }
0x2f: {  	s19 =	sadd.s32 @!p1 $0xFFFFFC98, s16;
	s17 =	ssub.s32 @!p1 $0x1000, s17;
	p3 =	por !p3, p1  }
0x30: {  	p2 =	sgt.s32 @!p1 s19, $0x7F;
	s19 =	sadd.s32 $0x80, s12;
	s17 =	simm.s32 @!p3 $0x0  }
0x31: {  	p3 =	sgt.s32 s19, $0x3E7;
	s17 =	smul.u32 @!p1 s17, s18;
	s18 =	simm.s32 $0x1  }
0x32: {  	s16 =	ssub.s32 @!p1 $0x3E8, s16;
	p2 =	por !p2, p1;
	s18 =	simm.s32 @!p3 $0x0  }
0x33: {  	s21 =	smov.u32 s14;
	s16 =	simm.s32 @!p2 $0x0;
	s20 =	sadd.s32 s18, s13  }
0x34: {  	s16 =	smul.u32 @!p1 s16, s17;
	s17 =	sadd.s32 $0x1000, s14;
	p2 =	sgt.s32 s20, $0x13  }
0x35: {  	p0 =	por !p0, !p0;
	s22 =	simm.s32 @!p1 $0x2;
	s21 =	smov.u32 @p2 s17  }
0x36: {  	s19 =	simm.s32 @p3 $0x0;
	s20 =	simm.s32 @p2 $0x0;
	p2 =	sgt.s32 s21, $0xFFF  }
0x37: {  	s18 =	smov.u32 s10;
	s21 =	smov.u32 @p2 s2;
	p2 =	sne.s32 s15, s7  }
.Ltmp1:
0x38: {  	s10 =	smov.u32 s13;
	s16 =	sand.u32 @!p1 $0x3FFFFFFF, s16;
	(pc) =	sbr.rel @!p2 .LBB1_6-.Ltmp1, $4  }
0x39: {  	s17 =	smov.u32 s11;
	s11 =	smov.u32 s14;
	_ =	swait.ge @!p1 [sflag:s22], s16  }
0x3a: {  	s23 =	ssub.s32 @!p1 $0x0, s16;
	s16 =	smov.u32 s9;
	s9 =	smov.u32 s12  }
0x3b: {  	s12 =	smov.u32 s19;
	s13 =	smov.u32 s20;
	[sflag:s22] =	ssyncset.done @!p1 $0x0  }
0x3c: {  	s15 =	sadd.s32 $0x1, s15;
	[sflag:s22] =	ssyncadd.s32 @!p1 s23;
	s14 =	smov.u32 s21  }
.LBB1_1:
0x3d: {  	p1 =	sge.u32 s15, s5  }
0x3e: {  	s19 =	sshll.u32 @!p1 s13, $0xA  }
0x3f: {  	s20 =	sshll.u32 @!p1 s12, $0x3;
	s19 =	sand.u32 @!p1 $0xFFFFE000, s19  }
0x40: {  	s19 =	sadd.s32 @!p1 s19, s20  }
0x41: {  	s19 =	sshrl.u32 @!p1 s19, $0xA  }
0x42: {  	s20 =	smulhi.u32 @!p1 $0xAAAAAAB, s19  }
0x43: {  	s21 =	sshll.u32 @!p1 s13, $0x7;
	s23 =	smul.u32 @!p1 $0xC00, s14  }
0x44: {  	s22 =	sand.u32 @!p1 $0x78, s12;
	s21 =	sand.u32 @!p1 $0x380, s21;
	s20 =	smul.u32 @!p1 $0x18, s20  }
0x45: {  	s31 =	sadd.s32 $0xFFFFFFFF, s15;
	s21 =	sor.u32 @!p1 s22, s21;
	s22 =	sadd.s32 @!p1 s6, s23  }
0x46: {  	s21 =	sshrl.u32 @!p1 s21, $0x3;
	s19 =	ssub.s32 @!p1 s19, s20;
	s20 =	sxor.u32 @!p1 $0xFFFFFFFF, s15  }
0x47: {  	s21 =	sadd.s32 @!p1 s21, s22;
	s22 =	sand.u32 @!p1 $0x7, s12;
	s20 =	sshll.u32 @!p1 s20, $0xE  }
0x48: {  	s22 =	sshll.u32 @!p1 s22, $0x12;
	s19 =	sshll.u32 @!p1 s19, $0x7;
	s20 =	sand.u32 @!p1 $0x4000, s20  }
0x49: {  	s19 =	sadd.s32 @!p1 s19, s21;
	s21 =	sor.u32 @!p1 $0x80, s22;
	s22 =	simm.s32 @!p1 $0x6000  }
0x4a: {  	[tilespmem:s20], [sflag:$0x1] =	stream.strided.gather @!p1 [hbm4b:s19+s21], $0x4000, s22, s21, $0x38;
	[tilespmem:$0x10100] =	vst v63  }
0x4b: {  	p1 =	sge.u32 s31, s5  }
.Ltmp2:
0x4c: {  	_ = 	snop;
	(pc) =	sbr.rel @p1 .LBB1_5-.Ltmp2, $1  }
0x4d: {  	_ =	sdelay $0x3  }
0x4e: {  	s19 =	simm.s32 $0x1  }
0x4f: {  	_ =	swait.ge [sflag:s4], $0x4000;
	s19 =	simm.s32 @!p0 $0x0  }
0x50: {  	[sflag:s4] =	ssyncset.done $0x0;
	s20 =	sshll.u32 s19, $0xE  }
0x51: {  	[sflag:s4] =	ssyncadd.s32 $0xFFFFC000;
	s20 =	sor.u32 $0x40, s20  }
0x52: {  	s19 =	smul.u32 $0x10200, s19;
	v0 =	vld [tilespmem:s20+$0x30]  }
0x53: {  	v1 =	vld [tilespmem:s20+$0xFFFFFFD0]  }
0x54: {  	s19 =	sshrl.u32 s19, $0x2;
	v5 =	vld [tilespmem:s20+$0xFFFFFFE0]  }
0x55: {  	v6 =	vld [tilespmem:s20+$0xFFFFFFF0];
	s22 =	sor.u32 $0x8000, s19  }
0x56: {  	s31 =	sand.u32 $0x1, s15;
	v4 =	vld [tilespmem:s20+$0x0];
	s21 =	sadd.s32 $0x0, s22  }
0x57: {  	v3 =	vld [tilespmem:s20+$0x10];
	s19 =	smul.u32 $0x10200, s31;
	[tilespmem:s21+$0x3870 ss:$0x81] =	vst.msk $0xffff, v0  }
0x58: {  	v2 =	vld [tilespmem:s20+$0x20];
	[tilespmem:s21+$0x810 ss:$0x81] =	vst.msk $0xffff, v1  }
0x59: {  	s19 =	sshrl.u32 s19, $0x2;
	v1 =	vld [tilespmem:s20+$0xFFFFFFC0];
	[tilespmem:s21+$0x1020 ss:$0x81] =	vst.msk $0xffff, v5;
	s20 =	sadd.s32 $0x80, s20  }
0x5a: {  	s23 =	simm.s32 $0x4;
	s24 =	simm.s32 $0x8;
	s19 =	sor.u32 $0x8000, s19;
	[tilespmem:s21+$0x1830 ss:$0x81] =	vst.msk $0xffff, v6;
	v0 =	vld [tilespmem:s20+$0x30]  }
.LBB1_3:
0x5b: {  	p1 =	sne.s32 s24, $0x1FC;
	v5 =	vld [tilespmem:s20+$0xFFFFFFD0];
	[tilespmem:s21+$0x2040 ss:$0x81] =	vst.msk $0xffff, v4  }
0x5c: {  	v6 =	vld [tilespmem:s20+$0xFFFFFFE0];
	[tilespmem:s21+$0x2850 ss:$0x81] =	vst.msk $0xffff, v3  }
0x5d: {  	s25 =	sshra.s32 s23, $0x2;
	s23 =	smov.u32 s24;
	v7 =	vld [tilespmem:s20+$0xFFFFFFF0];
	[tilespmem:s21+$0x3060 ss:$0x81] =	vst.msk $0xffff, v2  }
.Ltmp3:
0x5e: {  	v4 =	vld [tilespmem:s20+$0x0];
	[tilespmem:s21+$0x0 ss:$0x81] =	vst.msk $0xffff, v1;
	s21 =	sadd.s32 s25, s22;
	(pc) =	sbr.rel @p1 .LBB1_3-.Ltmp3, $4  }
0x5f: {  	v3 =	vld [tilespmem:s20+$0x10];
	[tilespmem:s21+$0x3870 ss:$0x81] =	vst.msk $0xffff, v0  }
0x60: {  	[tilespmem:s21+$0x810 ss:$0x81] =	vst.msk $0xffff, v5;
	v2 =	vld [tilespmem:s20+$0x20]  }
0x61: {  	v1 =	vld [tilespmem:s20+$0xFFFFFFC0];
	[tilespmem:s21+$0x1020 ss:$0x81] =	vst.msk $0xffff, v6;
	s20 =	sadd.s32 $0x80, s20  }
0x62: {  	s24 =	sadd.s32 $0x4, s24;
	v0 =	vld [tilespmem:s20+$0x30];
	[tilespmem:s21+$0x1830 ss:$0x81] =	vst.msk $0xffff, v7  }
.Ltmp4:
0x63: {  	_ = 	snop;
	(pc) =	sbr.rel .LBB1_4-.Ltmp4, $1  }
0x64: {  	_ =	sdelay $0x3  }
.LBB1_6:
0x65: {  	_ =	sfence.sel $0x180000  }
0x66: {  	s2 =	simm.s32 $0x1;
	[bflag:$0x0] =	sbarrier.arrive $0xFFFF  }
0x67: {  	s31 =	simm.s32 $0x2;
	[sflag:s2] =	ssyncpa.u1 $0x1  }
0x68: {  	[sflag:s31] =	ssyncpa.u1 $0x1  }
0x69: {  	p0 =	sne.s32 s0, $0x0;
	_ =	strace $0x9000004A  }
0x6a: {  	s0 =	sadd.s32 @!p0 $0x100000, s1;
	[bflag:$0x2] =	sbarrier.arrive $0xFFFF  }
0x6b: {  	[sflag:s0] =	ssyncadd.tile.s32 @!p0 $0x1;
	_ =	shalt  }
.Lfunc_end1:
_tile_overlayer_lowered:
.L_overlay_start_2:
0x6c: {  	(tag) =	ssettag $0x2  }
0x6d: {  	s0 =	rddreg [dreg:$0x0];
	s2 =	stileid.u32  }
0x6e: {  	s1 =	rddreg [dreg:$0x1];
	p0 =	sne.s32 s2, $0x0  }
0x6f: {  	s3 =	rddreg [dreg:$0x2];
	[bflag:$0x3] =	sbarrier.arrive $0xFFFF;
	s2 =	simm.s32 @!p0 $0x1C01  }
0x70: {  	[timem:s3], [sflag:s2] =	dma.local @!p0 [hbm:s0], s1  }
0x71: {  	s0 =	simm.s32 @!p0 $0x1  }
0x72: {  	_ =	swait.ge @!p0 [sflag:s0], s1  }
0x73: {  	s1 =	ssub.s32 @!p0 $0x0, s1;
	[sflag:s0] =	ssyncset.done @!p0 $0x0  }
0x74: {  	[sflag:s0] =	ssyncadd.s32 @!p0 s1  }
0x75: {  	[bflag:$0x3] =	sbarrier.arrive $0xFFFF  }
0x76: {  	_ =	shalt  }

</sc_bundles>
